<compile_context>
chip_gen: v7x
topology: tpu7x:2x2x1
jax: 0.10.2.dev20260603
libtpu: 0.0.44.dev20260713+nightly
codegen_flags: <defaults>
</compile_context>

<pallas_src>
import functools

import jax
import jax.numpy as jnp
from jax import lax
from jax.experimental import pallas as pl
from jax.experimental.pallas import tpu as pltpu
from jax.experimental.pallas import tpu_sc as plsc

_B, _H, _W, _D = 8, 128, 128, 64
_ROW = _D * _W
_BROW = _H * _ROW

_SCB = 2
_TCB = _B - _SCB
_NS = 2
_NB = _TCB // _NS

_WPB = 32 // _SCB
_HPW = _H // _WPB
_RG = 4
_NG = _HPW // _RG


def _sc_sums_body(yt_hbm, yp_hbm, out_hbm, ytrow_v, ring_v, res_v, sems):
    wid = lax.axis_index("s") * 2 + lax.axis_index("c")
    bi = wid // _WPB
    b = _TCB + bi
    h0 = (wid % _WPB) * _HPW

    pltpu.sync_copy(yt_hbm.at[pl.ds(b * _BROW, _ROW)], ytrow_v)

    rowbase = b * _BROW + h0 * _ROW
    copies = [None, None]
    copies[0] = pltpu.async_copy(
        yp_hbm.at[pl.ds(rowbase, _RG * _ROW)], ring_v.at[0], sems.at[0]
    )

    for g in range(_NG):
        par = g % 2
        if g + 1 < _NG:
            copies[1 - par] = pltpu.async_copy(
                yp_hbm.at[pl.ds(rowbase + (g + 1) * _RG * _ROW, _RG * _ROW)],
                ring_v.at[1 - par],
                sems.at[1 - par],
            )
        copies[par].wait()

        zeros = jnp.zeros((16,), jnp.float32)
        init = (zeros,) * (2 * _RG)

        def jbody(j, carry, par=par):
            ytc = ytrow_v[pl.ds(j * 16, 16)]
            m1 = jnp.where(
                jnp.logical_and(ytc > 1000.0, ytc < 3000.0), 1.0, 0.0
            )
            m2 = jnp.where(
                jnp.logical_or(
                    jnp.logical_and(ytc > 0.0, ytc < 1000.0), ytc > 3000.0
                ),
                1.0,
                0.0,
            )
            out = []
            for r in range(_RG):
                yc = ring_v[par, pl.ds(r * _ROW + j * 16, 16)]
                out.append(carry[2 * r] + yc * m1)
                out.append(carry[2 * r + 1] + yc * m2)
            return tuple(out)

        accs = lax.fori_loop(0, _ROW // 16, jbody, init)
        for r in range(_RG):
            res_v[g * _RG + r, :] = accs[2 * r]
            res_v[_HPW + g * _RG + r, :] = accs[2 * r + 1]

    pltpu.sync_copy(
        res_v.at[pl.ds(0, _HPW)], out_hbm.at[0, bi, pl.ds(h0, _HPW)]
    )
    pltpu.sync_copy(
        res_v.at[pl.ds(_HPW, _HPW)], out_hbm.at[1, bi, pl.ds(h0, _HPW)]
    )


_sc_sums = functools.partial(
    pl.kernel,
    out_type=jax.ShapeDtypeStruct((2, _SCB, _H, 16), jnp.float32),
    mesh=plsc.VectorSubcoreMesh(core_axis_name="c", subcore_axis_name="s"),
    scratch_types=[
        pltpu.VMEM((_ROW,), jnp.float32),
        pltpu.VMEM((2, _RG * _ROW), jnp.float32),
        pltpu.VMEM((2 * _HPW, 16), jnp.float32),
        pltpu.SemaphoreType.DMA((2,)),
    ],
)(_sc_sums_body)


def _masks_of(s0):
    m1 = jnp.logical_and(s0 > 1000.0, s0 < 3000.0).astype(jnp.float32)
    m2 = jnp.logical_or(
        jnp.logical_and(s0 > 0.0, s0 < 1000.0), s0 > 3000.0
    ).astype(jnp.float32)
    return m1, m2


def _tc_sums_body(*refs):
    yt_refs = refs[:_NS]
    yp_refs = refs[_NS:2 * _NS]
    acc1_ref, acc2_ref = refs[2 * _NS:]
    b = pl.program_id(0)

    @pl.when(b == 0)
    def _zero():
        acc1_ref[...] = jnp.zeros((_H, _W), jnp.float32)
        acc2_ref[...] = jnp.zeros((_H, _W), jnp.float32)

    p1 = jnp.zeros((_H, _W), jnp.float32)
    p2 = jnp.zeros((_H, _W), jnp.float32)
    for yt_ref, yp_ref in zip(yt_refs, yp_refs):
        m1, m2 = _masks_of(yt_ref[0, 0])
        ypv = yp_ref[0]
        p1 = p1 + jnp.sum(ypv * m1[None], axis=1)
        p2 = p2 + jnp.sum(ypv * m2[None], axis=1)

    acc1_ref[...] += p1
    acc2_ref[...] += p2


def _corr_body(yt0_ref, acc1_ref, acc2_ref, scpart_ref, out_ref):
    s0 = yt0_ref[:, 0]
    m1 = jnp.logical_and(s0 > 1000.0, s0 < 3000.0).astype(jnp.float32)
    m2 = jnp.logical_or(
        jnp.logical_and(s0 > 0.0, s0 < 1000.0), s0 > 3000.0
    ).astype(jnp.float32)
    c1 = jnp.sum(m1)
    c2 = jnp.sum(m2)
    sc = scpart_ref[...]
    a = jnp.sum(acc1_ref[...], axis=1) + jnp.sum(sc[0], axis=(0, 2))
    bb = jnp.sum(acc2_ref[...], axis=1) + jnp.sum(sc[1], axis=(0, 2))
    a = a / c1
    bb = bb / c2
    am = a - jnp.mean(a)
    bm = bb - jnp.mean(bb)
    cov = jnp.mean(am * bm)
    sx = jnp.sqrt(jnp.mean(am * am))
    sy = jnp.sqrt(jnp.mean(bm * bm))
    corr = cov / (sx * sy)
    out_ref[...] = jnp.abs(jnp.clip(corr, -1.0, 1.0)).reshape(1, 1)


def kernel(y_true, y_pred):
    yt = jnp.transpose(y_true[..., 0], (0, 1, 3, 2))
    yp = jnp.transpose(y_pred[..., 0], (0, 1, 3, 2))
    scpart = _sc_sums(yt.reshape(-1), yp.reshape(-1))
    acc1, acc2 = pl.pallas_call(
        _tc_sums_body,
        grid=(_NB,),
        in_specs=(
            [pl.BlockSpec((1, 1, _D, _W),
                          (lambda s: lambda b: (b + s * _NB, 0, 0, 0))(s))
             for s in range(_NS)]
            + [pl.BlockSpec((1, _H, _D, _W),
                            (lambda s: lambda b: (b + s * _NB, 0, 0, 0))(s))
               for s in range(_NS)]
        ),
        out_specs=[
            pl.BlockSpec((_H, _W), lambda b: (0, 0)),
            pl.BlockSpec((_H, _W), lambda b: (0, 0)),
        ],
        out_shape=[
            jax.ShapeDtypeStruct((_H, _W), jnp.float32),
            jax.ShapeDtypeStruct((_H, _W), jnp.float32),
        ],
    )(*([yt] * _NS + [yp] * _NS))
    out = pl.pallas_call(
        _corr_body,
        grid=(1,),
        in_specs=[
            pl.BlockSpec((_B, 1, _D, _W), lambda i: (0, 0, 0, 0)),
            pl.BlockSpec((_H, _W), lambda i: (0, 0)),
            pl.BlockSpec((_H, _W), lambda i: (0, 0)),
            pl.BlockSpec((2, _SCB, _H, 16), lambda i: (0, 0, 0, 0)),
        ],
        out_specs=pl.BlockSpec((1, 1), lambda i: (0, 0)),
        out_shape=jax.ShapeDtypeStruct((1, 1), jnp.float32),
    )(yt, acc1, acc2, scpart)
    return out

# --- scband reference (transcript-rebuilt; emitter-appended) ---
"""Pipeline reference for scband-custom-model-82145544504001 (READ-ONLY COPY).

The authoritative reference and input builder live on the scoring server;
editing this copy changes nothing except your own understanding.
"""

import jax, jax.numpy as jnp
import numpy as np

SHAPE = (8, 128, 128, 64, 1)

def setup_inputs(seed: int = 0) -> dict:
    key = jax.random.key(seed)
    k1, k2 = jax.random.split(key)
    # uniform values scaled into [0, 4000) so that both T1 masks
    # (1000 < v < 3000) and ((0 < v < 1000) | (v > 3000)) are non-empty
    y_true = jax.random.uniform(k1, SHAPE, dtype=jnp.float32) * 4000.0
    y_pred = jax.random.uniform(k2, SHAPE, dtype=jnp.float32) * 4000.0
    return {"y_true": y_true, "y_pred": y_pred}

def _pearson_corr(x, y):
    # tfp.stats.correlation(x, y) with sample_axis=0, event_axis=-1
    # x, y: [H, 1] -> output [1, 1]
    n = x.shape[0]
    xm = x - jnp.mean(x, axis=0, keepdims=True)
    ym = y - jnp.mean(y, axis=0, keepdims=True)
    cov = (xm.T @ ym) / n                      # [1, 1]
    sx = jnp.sqrt(jnp.mean(xm * xm, axis=0))   # [1]
    sy = jnp.sqrt(jnp.mean(ym * ym, axis=0))   # [1]
    return cov / (sx[:, None] * sy[None, :])

def reference(y_true, y_pred):
    # transpose [B,H,W,D,C] -> [H,W,D,B,C]
    yt = jnp.transpose(y_true, (1, 2, 3, 0, 4))
    yp = jnp.transpose(y_pred, (1, 2, 3, 0, 4))
    s0 = yt[0]  # [W, D, B, C]
    c1_mask = jnp.logical_and(s0 > 1000.0, s0 < 3000.0)
    c23_mask = jnp.logical_or(jnp.logical_and(s0 < 1000.0, s0 > 0.0), s0 > 3000.0)
    H = yp.shape[0]
    ypf = yp.reshape(H, -1)                    # [H, W*D*B*C]
    m1 = c1_mask.reshape(-1).astype(yp.dtype)  # [W*D*B*C]
    m2 = c23_mask.reshape(-1).astype(yp.dtype)
    # mean over boolean-masked elements == masked-sum / count (static-shape form
    # of tf.boolean_mask(..., axis=1) followed by reduce_mean over axis 1)
    mean_ytrue = (ypf * m1[None, :]).sum(axis=1, keepdims=True) / m1.sum()  # [H, 1]
    mean_ypred = (ypf * m2[None, :]).sum(axis=1, keepdims=True) / m2.sum()  # [H, 1]
    corr = _pearson_corr(mean_ytrue, mean_ypred)  # [1, 1]
    return jnp.abs(jnp.clip(corr, -1.0, 1.0))

if __name__ == "__main__":
    import jax
    _d = setup_inputs()
    print(jax.jit(kernel)(*tuple(_d.values())))

</pallas_src>

<mosaic_0001>
#map = affine_map<(d0, d1) -> (0)>
#map1 = affine_map<(d0, d1) -> (0, 0, 0, 0)>
module attributes {stable_mosaic.version = 14 : i64} {
  func.func @_sc_sums_body(%arg0: i32, %arg1: i32, %arg2: memref<8388608xf32, #tpu.memory_space<hbm>>, %arg3: memref<8388608xf32, #tpu.memory_space<hbm>>, %arg4: memref<2x2x128x16xf32, #tpu.memory_space<hbm>>, %arg5: memref<8192xf32, #tpu.memory_space<vmem>>, %arg6: memref<2x32768xf32, #tpu.memory_space<vmem>>, %arg7: memref<16x16xf32, #tpu.memory_space<vmem>>, %arg8: memref<2x!tpu.dma_semaphore, #tpu.memory_space<semaphore_mem>>) attributes {dimension_semantics = [#tpu.dimension_semantics<core_parallel>, #tpu.dimension_semantics<subcore_parallel>], iteration_bounds = array<i64: 2, 16>, scalar_prefetch = 0 : i64, scratch_operands = 4 : i64, tpu.core_type = #tpu.core_type<sc_vector_subcore>, window_params = [{transform_indices = #map}, {transform_indices = #map}, {transform_indices = #map1}]} {
    %mul3A = arith.constant 2 : i32
    %mul3A_0 = arith.muli %arg1, %mul3A : i32
    %add3A = arith.addi %mul3A_0, %arg0 : i32
    %jit3A = arith.constant 16 : i32
    %div3A = arith.divsi %add3A, %jit3A : i32
    %sign3A = arith.constant 0 : i32
    %sign3A_1 = arith.cmpi sgt, %add3A, %sign3A : i32
    %sign3A_2 = arith.extui %sign3A_1 : i1 to i32
    %sign3A_3 = arith.constant 0 : i32
    %sign3A_4 = arith.cmpi slt, %add3A, %sign3A_3 : i32
    %sign3A_5 = arith.extui %sign3A_4 : i1 to i32
    %sign3A_6 = arith.subi %sign3A_2, %sign3A_5 : i32
    %sign3A_7 = arith.constant 0 : i32
    %sign3A_8 = arith.cmpi sgt, %jit3A, %sign3A_7 : i32
    %sign3A_9 = arith.extui %sign3A_8 : i1 to i32
    %sign3A_10 = arith.constant 0 : i32
    %sign3A_11 = arith.cmpi slt, %jit3A, %sign3A_10 : i32
    %sign3A_12 = arith.extui %sign3A_11 : i1 to i32
    %sign3A_13 = arith.subi %sign3A_9, %sign3A_12 : i32
    %ne3A = arith.cmpi ne, %sign3A_6, %sign3A_13 : i32
    %rem3A = arith.remsi %add3A, %jit3A : i32
    %ne3A_14 = arith.constant 0 : i32
    %ne3A_15 = arith.cmpi ne, %rem3A, %ne3A_14 : i32
    %and3A = arith.andi %ne3A, %ne3A_15 : i1
    %sub3A = arith.constant 1 : i32
    %sub3A_16 = arith.subi %div3A, %sub3A : i32
    %select_n3A = arith.select %and3A, %sub3A_16, %div3A : i32
    %add3A_17 = arith.constant 6 : i32
    %add3A_18 = arith.addi %add3A_17, %select_n3A : i32
    %jit3A_19 = arith.constant 16 : i32
    %eq3A = arith.constant 0 : i32
    %eq3A_20 = arith.cmpi eq, %jit3A_19, %eq3A : i32
    %jit3A_21 = arith.constant 1 : i32
    %select_n3A_22 = arith.select %eq3A_20, %jit3A_21, %jit3A_19 : i32
    %rem3A_23 = arith.remsi %add3A, %select_n3A_22 : i32
    %ne3A_24 = arith.constant 0 : i32
    %ne3A_25 = arith.cmpi ne, %rem3A_23, %ne3A_24 : i32
    %lt3A = arith.constant 0 : i32
    %lt3A_26 = arith.cmpi slt, %rem3A_23, %lt3A : i32
    %lt3A_27 = arith.constant 0 : i32
    %lt3A_28 = arith.cmpi slt, %select_n3A_22, %lt3A_27 : i32
    %ne3A_29 = arith.xori %lt3A_26, %lt3A_28 : i1
    %and3A_30 = arith.andi %ne3A_29, %ne3A_25 : i1
    %add3A_31 = arith.addi %rem3A_23, %select_n3A_22 : i32
    %select_n3A_32 = arith.select %and3A_30, %add3A_31, %rem3A_23 : i32
    %mul3A_33 = arith.constant 8 : i32
    %mul3A_34 = arith.muli %select_n3A_32, %mul3A_33 : i32
    %mul3A_35 = arith.constant 1048576 : i32
    %mul3A_36 = arith.muli %add3A_18, %mul3A_35 : i32
    "tpu.region"() ({
      %run_scoped3A_200 = tpu.sem_alloc : memref<!tpu.dma_semaphore, #tpu.memory_space<semaphore_mem>>
      %dma_start3A_201 = tpu.memref_slice %arg2[%mul3A_36] : memref<8388608xf32, #tpu.memory_space<hbm>> -> memref<8192xf32, #tpu.memory_space<hbm>>
      %dma_start3A_202 = tpu.memref_slice %arg2[%mul3A_36] : memref<8388608xf32, #tpu.memory_space<hbm>> -> memref<8192xf32, #tpu.memory_space<hbm>>
      tpu.enqueue_dma source(%dma_start3A_202 : memref<8192xf32, #tpu.memory_space<hbm>>) target(%arg5 : memref<8192xf32, #tpu.memory_space<vmem>>) target_semaphore(%run_scoped3A_200 : memref<!tpu.dma_semaphore, #tpu.memory_space<semaphore_mem>>)
      %dma_wait3A_203 = tpu.memref_slice %arg2[%mul3A_36] : memref<8388608xf32, #tpu.memory_space<hbm>> -> memref<8192xf32, #tpu.memory_space<hbm>>
      %dma_wait3A_204 = tpu.memref_slice %arg2[%mul3A_36] : memref<8388608xf32, #tpu.memory_space<hbm>> -> memref<8192xf32, #tpu.memory_space<hbm>>
      tpu.wait_dma2 semaphore(%run_scoped3A_200 : memref<!tpu.dma_semaphore, #tpu.memory_space<semaphore_mem>>) src(%dma_wait3A_204 : memref<8192xf32, #tpu.memory_space<hbm>>) dst(%arg5 : memref<8192xf32, #tpu.memory_space<vmem>>)
      tpu.yield
    }) : () -> ()
    %mul3A_37 = arith.constant 1048576 : i32
    %mul3A_38 = arith.muli %add3A_18, %mul3A_37 : i32
    %mul3A_39 = arith.constant 8192 : i32
    %mul3A_40 = arith.muli %mul3A_34, %mul3A_39 : i32
    %add3A_41 = arith.addi %mul3A_38, %mul3A_40 : i32
    %dma_start3A = arith.constant 0 : i32
    %dma_start3A_42 = arith.constant 0 : i32
    %dma_start3A_43 = arith.constant 0 : i32
    %dma_start3A_44 = tpu.memref_slice %arg6[%dma_start3A, %dma_start3A_43] : memref<2x32768xf32, #tpu.memory_space<vmem>> -> memref<1x32768xf32, #tpu.memory_space<vmem>>
    %dma_start3A_45 = tpu.memref_squeeze %dma_start3A_44 : memref<1x32768xf32, #tpu.memory_space<vmem>> -> memref<32768xf32, #tpu.memory_space<vmem>>
    %dma_start3A_46 = tpu.memref_slice %arg3[%add3A_41] : memref<8388608xf32, #tpu.memory_space<hbm>> -> memref<32768xf32, #tpu.memory_space<hbm>>
    %dma_start3A_47 = tpu.memref_slice %arg8[%dma_start3A_42] : memref<2x!tpu.dma_semaphore, #tpu.memory_space<semaphore_mem>> -> memref<1x!tpu.dma_semaphore, #tpu.memory_space<semaphore_mem>>
    %dma_start3A_48 = tpu.memref_squeeze %dma_start3A_47 : memref<1x!tpu.dma_semaphore, #tpu.memory_space<semaphore_mem>> -> memref<!tpu.dma_semaphore, #tpu.memory_space<semaphore_mem>>
    %dma_start3A_49 = arith.constant 0 : i32
    %dma_start3A_50 = tpu.memref_slice %arg6[%dma_start3A, %dma_start3A_49] : memref<2x32768xf32, #tpu.memory_space<vmem>> -> memref<1x32768xf32, #tpu.memory_space<vmem>>
    %dma_start3A_51 = tpu.memref_squeeze %dma_start3A_50 : memref<1x32768xf32, #tpu.memory_space<vmem>> -> memref<32768xf32, #tpu.memory_space<vmem>>
    %dma_start3A_52 = tpu.memref_slice %arg3[%add3A_41] : memref<8388608xf32, #tpu.memory_space<hbm>> -> memref<32768xf32, #tpu.memory_space<hbm>>
    tpu.enqueue_dma source(%dma_start3A_52 : memref<32768xf32, #tpu.memory_space<hbm>>) target(%dma_start3A_51 : memref<32768xf32, #tpu.memory_space<vmem>>) target_semaphore(%dma_start3A_48 : memref<!tpu.dma_semaphore, #tpu.memory_space<semaphore_mem>>)
    %add3A_53 = arith.constant 32768 : i32
    %add3A_54 = arith.addi %add3A_41, %add3A_53 : i32
    %dma_start3A_55 = arith.constant 1 : i32
    %dma_start3A_56 = arith.constant 1 : i32
    %dma_start3A_57 = arith.constant 0 : i32
    %dma_start3A_58 = tpu.memref_slice %arg6[%dma_start3A_55, %dma_start3A_57] : memref<2x32768xf32, #tpu.memory_space<vmem>> -> memref<1x32768xf32, #tpu.memory_space<vmem>>
    %dma_start3A_59 = tpu.memref_squeeze %dma_start3A_58 : memref<1x32768xf32, #tpu.memory_space<vmem>> -> memref<32768xf32, #tpu.memory_space<vmem>>
    %dma_start3A_60 = tpu.memref_slice %arg3[%add3A_54] : memref<8388608xf32, #tpu.memory_space<hbm>> -> memref<32768xf32, #tpu.memory_space<hbm>>
    %dma_start3A_61 = tpu.memref_slice %arg8[%dma_start3A_56] : memref<2x!tpu.dma_semaphore, #tpu.memory_space<semaphore_mem>> -> memref<1x!tpu.dma_semaphore, #tpu.memory_space<semaphore_mem>>
    %dma_start3A_62 = tpu.memref_squeeze %dma_start3A_61 : memref<1x!tpu.dma_semaphore, #tpu.memory_space<semaphore_mem>> -> memref<!tpu.dma_semaphore, #tpu.memory_space<semaphore_mem>>
    %dma_start3A_63 = arith.constant 0 : i32
    %dma_start3A_64 = tpu.memref_slice %arg6[%dma_start3A_55, %dma_start3A_63] : memref<2x32768xf32, #tpu.memory_space<vmem>> -> memref<1x32768xf32, #tpu.memory_space<vmem>>
    %dma_start3A_65 = tpu.memref_squeeze %dma_start3A_64 : memref<1x32768xf32, #tpu.memory_space<vmem>> -> memref<32768xf32, #tpu.memory_space<vmem>>
    %dma_start3A_66 = tpu.memref_slice %arg3[%add3A_54] : memref<8388608xf32, #tpu.memory_space<hbm>> -> memref<32768xf32, #tpu.memory_space<hbm>>
    tpu.enqueue_dma source(%dma_start3A_66 : memref<32768xf32, #tpu.memory_space<hbm>>) target(%dma_start3A_65 : memref<32768xf32, #tpu.memory_space<vmem>>) target_semaphore(%dma_start3A_62 : memref<!tpu.dma_semaphore, #tpu.memory_space<semaphore_mem>>)
    %dma_wait3A = arith.constant 0 : i32
    %dma_wait3A_67 = arith.constant 0 : i32
    %dma_wait3A_68 = arith.constant 0 : i32
    %dma_wait3A_69 = tpu.memref_slice %arg6[%dma_wait3A, %dma_wait3A_68] : memref<2x32768xf32, #tpu.memory_space<vmem>> -> memref<1x32768xf32, #tpu.memory_space<vmem>>
    %dma_wait3A_70 = tpu.memref_squeeze %dma_wait3A_69 : memref<1x32768xf32, #tpu.memory_space<vmem>> -> memref<32768xf32, #tpu.memory_space<vmem>>
    %dma_wait3A_71 = tpu.memref_slice %arg3[%add3A_41] : memref<8388608xf32, #tpu.memory_space<hbm>> -> memref<32768xf32, #tpu.memory_space<hbm>>
    %dma_wait3A_72 = tpu.memref_slice %arg8[%dma_wait3A_67] : memref<2x!tpu.dma_semaphore, #tpu.memory_space<semaphore_mem>> -> memref<1x!tpu.dma_semaphore, #tpu.memory_space<semaphore_mem>>
    %dma_wait3A_73 = tpu.memref_squeeze %dma_wait3A_72 : memref<1x!tpu.dma_semaphore, #tpu.memory_space<semaphore_mem>> -> memref<!tpu.dma_semaphore, #tpu.memory_space<semaphore_mem>>
    %dma_wait3A_74 = arith.constant 0 : i32
    %dma_wait3A_75 = tpu.memref_slice %arg6[%dma_wait3A, %dma_wait3A_74] : memref<2x32768xf32, #tpu.memory_space<vmem>> -> memref<1x32768xf32, #tpu.memory_space<vmem>>
    %dma_wait3A_76 = tpu.memref_squeeze %dma_wait3A_75 : memref<1x32768xf32, #tpu.memory_space<vmem>> -> memref<32768xf32, #tpu.memory_space<vmem>>
    %dma_wait3A_77 = tpu.memref_slice %arg3[%add3A_41] : memref<8388608xf32, #tpu.memory_space<hbm>> -> memref<32768xf32, #tpu.memory_space<hbm>>
    tpu.wait_dma2 semaphore(%dma_wait3A_73 : memref<!tpu.dma_semaphore, #tpu.memory_space<semaphore_mem>>) src(%dma_wait3A_77 : memref<32768xf32, #tpu.memory_space<hbm>>) dst(%dma_wait3A_76 : memref<32768xf32, #tpu.memory_space<vmem>>)
    %broadcast_in_dim3A = arith.constant 0.000000e+00 : f32
    %broadcast_in_dim3A_78 = vector.broadcast %broadcast_in_dim3A : f32 to vector<16xf32>
    %scan3A = arith.constant 0 : i32
    %scan3A_79 = arith.constant 512 : i32
    %scan3A_80 = arith.addi %scan3A, %scan3A_79 : i32
    %scan3A_81 = arith.constant 1 : i32
    %scan3A_82:8 = scf.for %scan3A_200 = %scan3A to %scan3A_80 step %scan3A_81 iter_args(%scan3A_201 = %broadcast_in_dim3A_78, %scan3A_202 = %broadcast_in_dim3A_78, %scan3A_203 = %broadcast_in_dim3A_78, %scan3A_204 = %broadcast_in_dim3A_78, %scan3A_205 = %broadcast_in_dim3A_78, %scan3A_206 = %broadcast_in_dim3A_78, %scan3A_207 = %broadcast_in_dim3A_78, %scan3A_208 = %broadcast_in_dim3A_78) -> (vector<16xf32>, vector<16xf32>, vector<16xf32>, vector<16xf32>, vector<16xf32>, vector<16xf32>, vector<16xf32>, vector<16xf32>)  : i32 {
      %mul3A_209 = arith.constant 16 : i32
      %mul3A_210 = arith.muli %scan3A_200, %mul3A_209 : i32
      %get3A = arith.index_cast %mul3A_210 : i32 to index
      %get3A_211 = tpu.vector_load %arg5[%get3A] {strides = array<i32>} : memref<8192xf32, #tpu.memory_space<vmem>>, vector<16xf32>,
      %get3A_212 = vector.shape_cast %get3A_211 : vector<16xf32> to vector<16xf32>
      %gt3A = arith.constant 1.000000e+03 : f32
      %gt3A_213 = vector.broadcast %gt3A : f32 to vector<16xf32>
      %gt3A_214 = arith.cmpf ogt, %get3A_212, %gt3A_213 : vector<16xf32>
      %lt3A_215 = arith.constant 3.000000e+03 : f32
      %lt3A_216 = vector.broadcast %lt3A_215 : f32 to vector<16xf32>
      %lt3A_217 = arith.cmpf olt, %get3A_212, %lt3A_216 : vector<16xf32>
      %and3A_218 = arith.andi %gt3A_214, %lt3A_217 : vector<16xi1>
      %jit3A_219 = arith.constant 1.000000e+00 : f32
      %jit3A_220 = arith.constant 0.000000e+00 : f32
      %broadcast_in_dim3A_221 = vector.broadcast %jit3A_219 : f32 to vector<16xf32>
      %broadcast_in_dim3A_222 = vector.broadcast %jit3A_220 : f32 to vector<16xf32>
      %select_n3A_223 = arith.select %and3A_218, %broadcast_in_dim3A_221, %broadcast_in_dim3A_222 : vector<16xi1>, vector<16xf32>
      %gt3A_224 = arith.constant 0.000000e+00 : f32
      %gt3A_225 = vector.broadcast %gt3A_224 : f32 to vector<16xf32>
      %gt3A_226 = arith.cmpf ogt, %get3A_212, %gt3A_225 : vector<16xf32>
      %lt3A_227 = arith.constant 1.000000e+03 : f32
      %lt3A_228 = vector.broadcast %lt3A_227 : f32 to vector<16xf32>
      %lt3A_229 = arith.cmpf olt, %get3A_212, %lt3A_228 : vector<16xf32>
      %and3A_230 = arith.andi %gt3A_226, %lt3A_229 : vector<16xi1>
      %gt3A_231 = arith.constant 3.000000e+03 : f32
      %gt3A_232 = vector.broadcast %gt3A_231 : f32 to vector<16xf32>
      %gt3A_233 = arith.cmpf ogt, %get3A_212, %gt3A_232 : vector<16xf32>
      %or3A = arith.ori %and3A_230, %gt3A_233 : vector<16xi1>
      %jit3A_234 = arith.constant 1.000000e+00 : f32
      %jit3A_235 = arith.constant 0.000000e+00 : f32
      %broadcast_in_dim3A_236 = vector.broadcast %jit3A_234 : f32 to vector<16xf32>
      %broadcast_in_dim3A_237 = vector.broadcast %jit3A_235 : f32 to vector<16xf32>
      %select_n3A_238 = arith.select %or3A, %broadcast_in_dim3A_236, %broadcast_in_dim3A_237 : vector<16xi1>, vector<16xf32>
      %mul3A_239 = arith.constant 16 : i32
      %mul3A_240 = arith.muli %scan3A_200, %mul3A_239 : i32
      %add3A_241 = arith.constant 0 : i32
      %add3A_242 = arith.addi %add3A_241, %mul3A_240 : i32
      %get3A_243 = arith.constant 0 : i32
      %get3A_244 = arith.index_cast %get3A_243 : i32 to index
      %get3A_245 = arith.index_cast %add3A_242 : i32 to index
      %get3A_246 = tpu.vector_load %arg6[%get3A_244, %get3A_245] {strides = array<i32>} : memref<2x32768xf32, #tpu.memory_space<vmem>>, vector<1x16xf32>,
      %get3A_247 = vector.shape_cast %get3A_246 : vector<1x16xf32> to vector<16xf32>
      %mul3A_248 = arith.mulf %get3A_247, %select_n3A_223 : vector<16xf32>
      %add3A_249 = arith.addf %scan3A_201, %mul3A_248 : vector<16xf32>
      %mul3A_250 = arith.mulf %get3A_247, %select_n3A_238 : vector<16xf32>
      %add3A_251 = arith.addf %scan3A_202, %mul3A_250 : vector<16xf32>
      %mul3A_252 = arith.constant 16 : i32
      %mul3A_253 = arith.muli %scan3A_200, %mul3A_252 : i32
      %add3A_254 = arith.constant 8192 : i32
      %add3A_255 = arith.addi %add3A_254, %mul3A_253 : i32
      %get3A_256 = arith.constant 0 : i32
      %get3A_257 = arith.index_cast %get3A_256 : i32 to index
      %get3A_258 = arith.index_cast %add3A_255 : i32 to index
      %get3A_259 = tpu.vector_load %arg6[%get3A_257, %get3A_258] {strides = array<i32>} : memref<2x32768xf32, #tpu.memory_space<vmem>>, vector<1x16xf32>,
      %get3A_260 = vector.shape_cast %get3A_259 : vector<1x16xf32> to vector<16xf32>
      %mul3A_261 = arith.mulf %get3A_260, %select_n3A_223 : vector<16xf32>
      %add3A_262 = arith.addf %scan3A_203, %mul3A_261 : vector<16xf32>
      %mul3A_263 = arith.mulf %get3A_260, %select_n3A_238 : vector<16xf32>
      %add3A_264 = arith.addf %scan3A_204, %mul3A_263 : vector<16xf32>
      %mul3A_265 = arith.constant 16 : i32
      %mul3A_266 = arith.muli %scan3A_200, %mul3A_265 : i32
      %add3A_267 = arith.constant 16384 : i32
      %add3A_268 = arith.addi %add3A_267, %mul3A_266 : i32
      %get3A_269 = arith.constant 0 : i32
      %get3A_270 = arith.index_cast %get3A_269 : i32 to index
      %get3A_271 = arith.index_cast %add3A_268 : i32 to index
      %get3A_272 = tpu.vector_load %arg6[%get3A_270, %get3A_271] {strides = array<i32>} : memref<2x32768xf32, #tpu.memory_space<vmem>>, vector<1x16xf32>,
      %get3A_273 = vector.shape_cast %get3A_272 : vector<1x16xf32> to vector<16xf32>
      %mul3A_274 = arith.mulf %get3A_273, %select_n3A_223 : vector<16xf32>
      %add3A_275 = arith.addf %scan3A_205, %mul3A_274 : vector<16xf32>
      %mul3A_276 = arith.mulf %get3A_273, %select_n3A_238 : vector<16xf32>
      %add3A_277 = arith.addf %scan3A_206, %mul3A_276 : vector<16xf32>
      %mul3A_278 = arith.constant 16 : i32
      %mul3A_279 = arith.muli %scan3A_200, %mul3A_278 : i32
      %add3A_280 = arith.constant 24576 : i32
      %add3A_281 = arith.addi %add3A_280, %mul3A_279 : i32
      %get3A_282 = arith.constant 0 : i32
      %get3A_283 = arith.index_cast %get3A_282 : i32 to index
      %get3A_284 = arith.index_cast %add3A_281 : i32 to index
      %get3A_285 = tpu.vector_load %arg6[%get3A_283, %get3A_284] {strides = array<i32>} : memref<2x32768xf32, #tpu.memory_space<vmem>>, vector<1x16xf32>,
      %get3A_286 = vector.shape_cast %get3A_285 : vector<1x16xf32> to vector<16xf32>
      %mul3A_287 = arith.mulf %get3A_286, %select_n3A_223 : vector<16xf32>
      %add3A_288 = arith.addf %scan3A_207, %mul3A_287 : vector<16xf32>
      %mul3A_289 = arith.mulf %get3A_286, %select_n3A_238 : vector<16xf32>
      %add3A_290 = arith.addf %scan3A_208, %mul3A_289 : vector<16xf32>
      scf.yield %add3A_249, %add3A_251, %add3A_262, %add3A_264, %add3A_275, %add3A_277, %add3A_288, %add3A_290 : vector<16xf32>, vector<16xf32>, vector<16xf32>, vector<16xf32>, vector<16xf32>, vector<16xf32>, vector<16xf32>, vector<16xf32>
    }
    %scan3A_83 = arith.constant 512 : i32
    %swap3A = arith.constant 0 : i32
    %swap3A_84 = arith.index_cast %swap3A : i32 to index
    %swap3A_85 = arith.constant 0 : index
    %swap3A_86 = tpu.vector_load %arg7[%swap3A_84, %swap3A_85] {strides = array<i32>} : memref<16x16xf32, #tpu.memory_space<vmem>>, vector<1x16xf32>,
    %swap3A_87 = vector.shape_cast %swap3A_86 : vector<1x16xf32> to vector<16xf32>
    %swap3A_88 = vector.shape_cast %scan3A_82#0 : vector<16xf32> to vector<1x16xf32>
    tpu.vector_store %arg7[%swap3A_84, %swap3A_85], %swap3A_88 {strides = array<i32>} : memref<16x16xf32, #tpu.memory_space<vmem>>, vector<1x16xf32>,
    %swap3A_89 = arith.constant 8 : i32
    %swap3A_90 = arith.index_cast %swap3A_89 : i32 to index
    %swap3A_91 = arith.constant 0 : index
    %swap3A_92 = tpu.vector_load %arg7[%swap3A_90, %swap3A_91] {strides = array<i32>} : memref<16x16xf32, #tpu.memory_space<vmem>>, vector<1x16xf32>,
    %swap3A_93 = vector.shape_cast %swap3A_92 : vector<1x16xf32> to vector<16xf32>
    %swap3A_94 = vector.shape_cast %scan3A_82#1 : vector<16xf32> to vector<1x16xf32>
    tpu.vector_store %arg7[%swap3A_90, %swap3A_91], %swap3A_94 {strides = array<i32>} : memref<16x16xf32, #tpu.memory_space<vmem>>, vector<1x16xf32>,
    %swap3A_95 = arith.constant 1 : i32
    %swap3A_96 = arith.index_cast %swap3A_95 : i32 to index
    %swap3A_97 = arith.constant 0 : index
    %swap3A_98 = tpu.vector_load %arg7[%swap3A_96, %swap3A_97] {strides = array<i32>} : memref<16x16xf32, #tpu.memory_space<vmem>>, vector<1x16xf32>,
    %swap3A_99 = vector.shape_cast %swap3A_98 : vector<1x16xf32> to vector<16xf32>
    %swap3A_100 = vector.shape_cast %scan3A_82#2 : vector<16xf32> to vector<1x16xf32>
    tpu.vector_store %arg7[%swap3A_96, %swap3A_97], %swap3A_100 {strides = array<i32>} : memref<16x16xf32, #tpu.memory_space<vmem>>, vector<1x16xf32>,
    %swap3A_101 = arith.constant 9 : i32
    %swap3A_102 = arith.index_cast %swap3A_101 : i32 to index
    %swap3A_103 = arith.constant 0 : index
    %swap3A_104 = tpu.vector_load %arg7[%swap3A_102, %swap3A_103] {strides = array<i32>} : memref<16x16xf32, #tpu.memory_space<vmem>>, vector<1x16xf32>,
    %swap3A_105 = vector.shape_cast %swap3A_104 : vector<1x16xf32> to vector<16xf32>
    %swap3A_106 = vector.shape_cast %scan3A_82#3 : vector<16xf32> to vector<1x16xf32>
    tpu.vector_store %arg7[%swap3A_102, %swap3A_103], %swap3A_106 {strides = array<i32>} : memref<16x16xf32, #tpu.memory_space<vmem>>, vector<1x16xf32>,
    %swap3A_107 = arith.constant 2 : i32
    %swap3A_108 = arith.index_cast %swap3A_107 : i32 to index
    %swap3A_109 = arith.constant 0 : index
    %swap3A_110 = tpu.vector_load %arg7[%swap3A_108, %swap3A_109] {strides = array<i32>} : memref<16x16xf32, #tpu.memory_space<vmem>>, vector<1x16xf32>,
    %swap3A_111 = vector.shape_cast %swap3A_110 : vector<1x16xf32> to vector<16xf32>
    %swap3A_112 = vector.shape_cast %scan3A_82#4 : vector<16xf32> to vector<1x16xf32>
    tpu.vector_store %arg7[%swap3A_108, %swap3A_109], %swap3A_112 {strides = array<i32>} : memref<16x16xf32, #tpu.memory_space<vmem>>, vector<1x16xf32>,
    %swap3A_113 = arith.constant 10 : i32
    %swap3A_114 = arith.index_cast %swap3A_113 : i32 to index
    %swap3A_115 = arith.constant 0 : index
    %swap3A_116 = tpu.vector_load %arg7[%swap3A_114, %swap3A_115] {strides = array<i32>} : memref<16x16xf32, #tpu.memory_space<vmem>>, vector<1x16xf32>,
    %swap3A_117 = vector.shape_cast %swap3A_116 : vector<1x16xf32> to vector<16xf32>
    %swap3A_118 = vector.shape_cast %scan3A_82#5 : vector<16xf32> to vector<1x16xf32>
    tpu.vector_store %arg7[%swap3A_114, %swap3A_115], %swap3A_118 {strides = array<i32>} : memref<16x16xf32, #tpu.memory_space<vmem>>, vector<1x16xf32>,
    %swap3A_119 = arith.constant 3 : i32
    %swap3A_120 = arith.index_cast %swap3A_119 : i32 to index
    %swap3A_121 = arith.constant 0 : index
    %swap3A_122 = tpu.vector_load %arg7[%swap3A_120, %swap3A_121] {strides = array<i32>} : memref<16x16xf32, #tpu.memory_space<vmem>>, vector<1x16xf32>,
    %swap3A_123 = vector.shape_cast %swap3A_122 : vector<1x16xf32> to vector<16xf32>
    %swap3A_124 = vector.shape_cast %scan3A_82#6 : vector<16xf32> to vector<1x16xf32>
    tpu.vector_store %arg7[%swap3A_120, %swap3A_121], %swap3A_124 {strides = array<i32>} : memref<16x16xf32, #tpu.memory_space<vmem>>, vector<1x16xf32>,
    %swap3A_125 = arith.constant 11 : i32
    %swap3A_126 = arith.index_cast %swap3A_125 : i32 to index
    %swap3A_127 = arith.constant 0 : index
    %swap3A_128 = tpu.vector_load %arg7[%swap3A_126, %swap3A_127] {strides = array<i32>} : memref<16x16xf32, #tpu.memory_space<vmem>>, vector<1x16xf32>,
    %swap3A_129 = vector.shape_cast %swap3A_128 : vector<1x16xf32> to vector<16xf32>
    %swap3A_130 = vector.shape_cast %scan3A_82#7 : vector<16xf32> to vector<1x16xf32>
    tpu.vector_store %arg7[%swap3A_126, %swap3A_127], %swap3A_130 {strides = array<i32>} : memref<16x16xf32, #tpu.memory_space<vmem>>, vector<1x16xf32>,
    %dma_wait3A_131 = arith.constant 1 : i32
    %dma_wait3A_132 = arith.constant 1 : i32
    %dma_wait3A_133 = arith.constant 0 : i32
    %dma_wait3A_134 = tpu.memref_slice %arg6[%dma_wait3A_131, %dma_wait3A_133] : memref<2x32768xf32, #tpu.memory_space<vmem>> -> memref<1x32768xf32, #tpu.memory_space<vmem>>
    %dma_wait3A_135 = tpu.memref_squeeze %dma_wait3A_134 : memref<1x32768xf32, #tpu.memory_space<vmem>> -> memref<32768xf32, #tpu.memory_space<vmem>>
    %dma_wait3A_136 = tpu.memref_slice %arg3[%add3A_54] : memref<8388608xf32, #tpu.memory_space<hbm>> -> memref<32768xf32, #tpu.memory_space<hbm>>
    %dma_wait3A_137 = tpu.memref_slice %arg8[%dma_wait3A_132] : memref<2x!tpu.dma_semaphore, #tpu.memory_space<semaphore_mem>> -> memref<1x!tpu.dma_semaphore, #tpu.memory_space<semaphore_mem>>
    %dma_wait3A_138 = tpu.memref_squeeze %dma_wait3A_137 : memref<1x!tpu.dma_semaphore, #tpu.memory_space<semaphore_mem>> -> memref<!tpu.dma_semaphore, #tpu.memory_space<semaphore_mem>>
    %dma_wait3A_139 = arith.constant 0 : i32
    %dma_wait3A_140 = tpu.memref_slice %arg6[%dma_wait3A_131, %dma_wait3A_139] : memref<2x32768xf32, #tpu.memory_space<vmem>> -> memref<1x32768xf32, #tpu.memory_space<vmem>>
    %dma_wait3A_141 = tpu.memref_squeeze %dma_wait3A_140 : memref<1x32768xf32, #tpu.memory_space<vmem>> -> memref<32768xf32, #tpu.memory_space<vmem>>
    %dma_wait3A_142 = tpu.memref_slice %arg3[%add3A_54] : memref<8388608xf32, #tpu.memory_space<hbm>> -> memref<32768xf32, #tpu.memory_space<hbm>>
    tpu.wait_dma2 semaphore(%dma_wait3A_138 : memref<!tpu.dma_semaphore, #tpu.memory_space<semaphore_mem>>) src(%dma_wait3A_142 : memref<32768xf32, #tpu.memory_space<hbm>>) dst(%dma_wait3A_141 : memref<32768xf32, #tpu.memory_space<vmem>>)
    %broadcast_in_dim3A_143 = arith.constant 0.000000e+00 : f32
    %broadcast_in_dim3A_144 = vector.broadcast %broadcast_in_dim3A_143 : f32 to vector<16xf32>
    %scan3A_145 = arith.constant 0 : i32
    %scan3A_146 = arith.constant 512 : i32
    %scan3A_147 = arith.addi %scan3A_145, %scan3A_146 : i32
    %scan3A_148 = arith.constant 1 : i32
    %scan3A_149:8 = scf.for %scan3A_200 = %scan3A_145 to %scan3A_147 step %scan3A_148 iter_args(%scan3A_201 = %broadcast_in_dim3A_144, %scan3A_202 = %broadcast_in_dim3A_144, %scan3A_203 = %broadcast_in_dim3A_144, %scan3A_204 = %broadcast_in_dim3A_144, %scan3A_205 = %broadcast_in_dim3A_144, %scan3A_206 = %broadcast_in_dim3A_144, %scan3A_207 = %broadcast_in_dim3A_144, %scan3A_208 = %broadcast_in_dim3A_144) -> (vector<16xf32>, vector<16xf32>, vector<16xf32>, vector<16xf32>, vector<16xf32>, vector<16xf32>, vector<16xf32>, vector<16xf32>)  : i32 {
      %mul3A_209 = arith.constant 16 : i32
      %mul3A_210 = arith.muli %scan3A_200, %mul3A_209 : i32
      %get3A = arith.index_cast %mul3A_210 : i32 to index
      %get3A_211 = tpu.vector_load %arg5[%get3A] {strides = array<i32>} : memref<8192xf32, #tpu.memory_space<vmem>>, vector<16xf32>,
      %get3A_212 = vector.shape_cast %get3A_211 : vector<16xf32> to vector<16xf32>
      %gt3A = arith.constant 1.000000e+03 : f32
      %gt3A_213 = vector.broadcast %gt3A : f32 to vector<16xf32>
      %gt3A_214 = arith.cmpf ogt, %get3A_212, %gt3A_213 : vector<16xf32>
      %lt3A_215 = arith.constant 3.000000e+03 : f32
      %lt3A_216 = vector.broadcast %lt3A_215 : f32 to vector<16xf32>
      %lt3A_217 = arith.cmpf olt, %get3A_212, %lt3A_216 : vector<16xf32>
      %and3A_218 = arith.andi %gt3A_214, %lt3A_217 : vector<16xi1>
      %jit3A_219 = arith.constant 1.000000e+00 : f32
      %jit3A_220 = arith.constant 0.000000e+00 : f32
      %broadcast_in_dim3A_221 = vector.broadcast %jit3A_219 : f32 to vector<16xf32>
      %broadcast_in_dim3A_222 = vector.broadcast %jit3A_220 : f32 to vector<16xf32>
      %select_n3A_223 = arith.select %and3A_218, %broadcast_in_dim3A_221, %broadcast_in_dim3A_222 : vector<16xi1>, vector<16xf32>
      %gt3A_224 = arith.constant 0.000000e+00 : f32
      %gt3A_225 = vector.broadcast %gt3A_224 : f32 to vector<16xf32>
      %gt3A_226 = arith.cmpf ogt, %get3A_212, %gt3A_225 : vector<16xf32>
      %lt3A_227 = arith.constant 1.000000e+03 : f32
      %lt3A_228 = vector.broadcast %lt3A_227 : f32 to vector<16xf32>
      %lt3A_229 = arith.cmpf olt, %get3A_212, %lt3A_228 : vector<16xf32>
      %and3A_230 = arith.andi %gt3A_226, %lt3A_229 : vector<16xi1>
      %gt3A_231 = arith.constant 3.000000e+03 : f32
      %gt3A_232 = vector.broadcast %gt3A_231 : f32 to vector<16xf32>
      %gt3A_233 = arith.cmpf ogt, %get3A_212, %gt3A_232 : vector<16xf32>
      %or3A = arith.ori %and3A_230, %gt3A_233 : vector<16xi1>
      %jit3A_234 = arith.constant 1.000000e+00 : f32
      %jit3A_235 = arith.constant 0.000000e+00 : f32
      %broadcast_in_dim3A_236 = vector.broadcast %jit3A_234 : f32 to vector<16xf32>
      %broadcast_in_dim3A_237 = vector.broadcast %jit3A_235 : f32 to vector<16xf32>
      %select_n3A_238 = arith.select %or3A, %broadcast_in_dim3A_236, %broadcast_in_dim3A_237 : vector<16xi1>, vector<16xf32>
      %mul3A_239 = arith.constant 16 : i32
      %mul3A_240 = arith.muli %scan3A_200, %mul3A_239 : i32
      %add3A_241 = arith.constant 0 : i32
      %add3A_242 = arith.addi %add3A_241, %mul3A_240 : i32
      %get3A_243 = arith.constant 1 : i32
      %get3A_244 = arith.index_cast %get3A_243 : i32 to index
      %get3A_245 = arith.index_cast %add3A_242 : i32 to index
      %get3A_246 = tpu.vector_load %arg6[%get3A_244, %get3A_245] {strides = array<i32>} : memref<2x32768xf32, #tpu.memory_space<vmem>>, vector<1x16xf32>,
      %get3A_247 = vector.shape_cast %get3A_246 : vector<1x16xf32> to vector<16xf32>
      %mul3A_248 = arith.mulf %get3A_247, %select_n3A_223 : vector<16xf32>
      %add3A_249 = arith.addf %scan3A_201, %mul3A_248 : vector<16xf32>
      %mul3A_250 = arith.mulf %get3A_247, %select_n3A_238 : vector<16xf32>
      %add3A_251 = arith.addf %scan3A_202, %mul3A_250 : vector<16xf32>
      %mul3A_252 = arith.constant 16 : i32
      %mul3A_253 = arith.muli %scan3A_200, %mul3A_252 : i32
      %add3A_254 = arith.constant 8192 : i32
      %add3A_255 = arith.addi %add3A_254, %mul3A_253 : i32
      %get3A_256 = arith.constant 1 : i32
      %get3A_257 = arith.index_cast %get3A_256 : i32 to index
      %get3A_258 = arith.index_cast %add3A_255 : i32 to index
      %get3A_259 = tpu.vector_load %arg6[%get3A_257, %get3A_258] {strides = array<i32>} : memref<2x32768xf32, #tpu.memory_space<vmem>>, vector<1x16xf32>,
      %get3A_260 = vector.shape_cast %get3A_259 : vector<1x16xf32> to vector<16xf32>
      %mul3A_261 = arith.mulf %get3A_260, %select_n3A_223 : vector<16xf32>
      %add3A_262 = arith.addf %scan3A_203, %mul3A_261 : vector<16xf32>
      %mul3A_263 = arith.mulf %get3A_260, %select_n3A_238 : vector<16xf32>
      %add3A_264 = arith.addf %scan3A_204, %mul3A_263 : vector<16xf32>
      %mul3A_265 = arith.constant 16 : i32
      %mul3A_266 = arith.muli %scan3A_200, %mul3A_265 : i32
      %add3A_267 = arith.constant 16384 : i32
      %add3A_268 = arith.addi %add3A_267, %mul3A_266 : i32
      %get3A_269 = arith.constant 1 : i32
      %get3A_270 = arith.index_cast %get3A_269 : i32 to index
      %get3A_271 = arith.index_cast %add3A_268 : i32 to index
      %get3A_272 = tpu.vector_load %arg6[%get3A_270, %get3A_271] {strides = array<i32>} : memref<2x32768xf32, #tpu.memory_space<vmem>>, vector<1x16xf32>,
      %get3A_273 = vector.shape_cast %get3A_272 : vector<1x16xf32> to vector<16xf32>
      %mul3A_274 = arith.mulf %get3A_273, %select_n3A_223 : vector<16xf32>
      %add3A_275 = arith.addf %scan3A_205, %mul3A_274 : vector<16xf32>
      %mul3A_276 = arith.mulf %get3A_273, %select_n3A_238 : vector<16xf32>
      %add3A_277 = arith.addf %scan3A_206, %mul3A_276 : vector<16xf32>
      %mul3A_278 = arith.constant 16 : i32
      %mul3A_279 = arith.muli %scan3A_200, %mul3A_278 : i32
      %add3A_280 = arith.constant 24576 : i32
      %add3A_281 = arith.addi %add3A_280, %mul3A_279 : i32
      %get3A_282 = arith.constant 1 : i32
      %get3A_283 = arith.index_cast %get3A_282 : i32 to index
      %get3A_284 = arith.index_cast %add3A_281 : i32 to index
      %get3A_285 = tpu.vector_load %arg6[%get3A_283, %get3A_284] {strides = array<i32>} : memref<2x32768xf32, #tpu.memory_space<vmem>>, vector<1x16xf32>,
      %get3A_286 = vector.shape_cast %get3A_285 : vector<1x16xf32> to vector<16xf32>
      %mul3A_287 = arith.mulf %get3A_286, %select_n3A_223 : vector<16xf32>
      %add3A_288 = arith.addf %scan3A_207, %mul3A_287 : vector<16xf32>
      %mul3A_289 = arith.mulf %get3A_286, %select_n3A_238 : vector<16xf32>
      %add3A_290 = arith.addf %scan3A_208, %mul3A_289 : vector<16xf32>
      scf.yield %add3A_249, %add3A_251, %add3A_262, %add3A_264, %add3A_275, %add3A_277, %add3A_288, %add3A_290 : vector<16xf32>, vector<16xf32>, vector<16xf32>, vector<16xf32>, vector<16xf32>, vector<16xf32>, vector<16xf32>, vector<16xf32>
    }
    %scan3A_150 = arith.constant 512 : i32
    %swap3A_151 = arith.constant 4 : i32
    %swap3A_152 = arith.index_cast %swap3A_151 : i32 to index
    %swap3A_153 = arith.constant 0 : index
    %swap3A_154 = tpu.vector_load %arg7[%swap3A_152, %swap3A_153] {strides = array<i32>} : memref<16x16xf32, #tpu.memory_space<vmem>>, vector<1x16xf32>,
    %swap3A_155 = vector.shape_cast %swap3A_154 : vector<1x16xf32> to vector<16xf32>
    %swap3A_156 = vector.shape_cast %scan3A_149#0 : vector<16xf32> to vector<1x16xf32>
    tpu.vector_store %arg7[%swap3A_152, %swap3A_153], %swap3A_156 {strides = array<i32>} : memref<16x16xf32, #tpu.memory_space<vmem>>, vector<1x16xf32>,
    %swap3A_157 = arith.constant 12 : i32
    %swap3A_158 = arith.index_cast %swap3A_157 : i32 to index
    %swap3A_159 = arith.constant 0 : index
    %swap3A_160 = tpu.vector_load %arg7[%swap3A_158, %swap3A_159] {strides = array<i32>} : memref<16x16xf32, #tpu.memory_space<vmem>>, vector<1x16xf32>,
    %swap3A_161 = vector.shape_cast %swap3A_160 : vector<1x16xf32> to vector<16xf32>
    %swap3A_162 = vector.shape_cast %scan3A_149#1 : vector<16xf32> to vector<1x16xf32>
    tpu.vector_store %arg7[%swap3A_158, %swap3A_159], %swap3A_162 {strides = array<i32>} : memref<16x16xf32, #tpu.memory_space<vmem>>, vector<1x16xf32>,
    %swap3A_163 = arith.constant 5 : i32
    %swap3A_164 = arith.index_cast %swap3A_163 : i32 to index
    %swap3A_165 = arith.constant 0 : index
    %swap3A_166 = tpu.vector_load %arg7[%swap3A_164, %swap3A_165] {strides = array<i32>} : memref<16x16xf32, #tpu.memory_space<vmem>>, vector<1x16xf32>,
    %swap3A_167 = vector.shape_cast %swap3A_166 : vector<1x16xf32> to vector<16xf32>
    %swap3A_168 = vector.shape_cast %scan3A_149#2 : vector<16xf32> to vector<1x16xf32>
    tpu.vector_store %arg7[%swap3A_164, %swap3A_165], %swap3A_168 {strides = array<i32>} : memref<16x16xf32, #tpu.memory_space<vmem>>, vector<1x16xf32>,
    %swap3A_169 = arith.constant 13 : i32
    %swap3A_170 = arith.index_cast %swap3A_169 : i32 to index
    %swap3A_171 = arith.constant 0 : index
    %swap3A_172 = tpu.vector_load %arg7[%swap3A_170, %swap3A_171] {strides = array<i32>} : memref<16x16xf32, #tpu.memory_space<vmem>>, vector<1x16xf32>,
    %swap3A_173 = vector.shape_cast %swap3A_172 : vector<1x16xf32> to vector<16xf32>
    %swap3A_174 = vector.shape_cast %scan3A_149#3 : vector<16xf32> to vector<1x16xf32>
    tpu.vector_store %arg7[%swap3A_170, %swap3A_171], %swap3A_174 {strides = array<i32>} : memref<16x16xf32, #tpu.memory_space<vmem>>, vector<1x16xf32>,
    %swap3A_175 = arith.constant 6 : i32
    %swap3A_176 = arith.index_cast %swap3A_175 : i32 to index
    %swap3A_177 = arith.constant 0 : index
    %swap3A_178 = tpu.vector_load %arg7[%swap3A_176, %swap3A_177] {strides = array<i32>} : memref<16x16xf32, #tpu.memory_space<vmem>>, vector<1x16xf32>,
    %swap3A_179 = vector.shape_cast %swap3A_178 : vector<1x16xf32> to vector<16xf32>
    %swap3A_180 = vector.shape_cast %scan3A_149#4 : vector<16xf32> to vector<1x16xf32>
    tpu.vector_store %arg7[%swap3A_176, %swap3A_177], %swap3A_180 {strides = array<i32>} : memref<16x16xf32, #tpu.memory_space<vmem>>, vector<1x16xf32>,
    %swap3A_181 = arith.constant 14 : i32
    %swap3A_182 = arith.index_cast %swap3A_181 : i32 to index
    %swap3A_183 = arith.constant 0 : index
    %swap3A_184 = tpu.vector_load %arg7[%swap3A_182, %swap3A_183] {strides = array<i32>} : memref<16x16xf32, #tpu.memory_space<vmem>>, vector<1x16xf32>,
    %swap3A_185 = vector.shape_cast %swap3A_184 : vector<1x16xf32> to vector<16xf32>
    %swap3A_186 = vector.shape_cast %scan3A_149#5 : vector<16xf32> to vector<1x16xf32>
    tpu.vector_store %arg7[%swap3A_182, %swap3A_183], %swap3A_186 {strides = array<i32>} : memref<16x16xf32, #tpu.memory_space<vmem>>, vector<1x16xf32>,
    %swap3A_187 = arith.constant 7 : i32
    %swap3A_188 = arith.index_cast %swap3A_187 : i32 to index
    %swap3A_189 = arith.constant 0 : index
    %swap3A_190 = tpu.vector_load %arg7[%swap3A_188, %swap3A_189] {strides = array<i32>} : memref<16x16xf32, #tpu.memory_space<vmem>>, vector<1x16xf32>,
    %swap3A_191 = vector.shape_cast %swap3A_190 : vector<1x16xf32> to vector<16xf32>
    %swap3A_192 = vector.shape_cast %scan3A_149#6 : vector<16xf32> to vector<1x16xf32>
    tpu.vector_store %arg7[%swap3A_188, %swap3A_189], %swap3A_192 {strides = array<i32>} : memref<16x16xf32, #tpu.memory_space<vmem>>, vector<1x16xf32>,
    %swap3A_193 = arith.constant 15 : i32
    %swap3A_194 = arith.index_cast %swap3A_193 : i32 to index
    %swap3A_195 = arith.constant 0 : index
    %swap3A_196 = tpu.vector_load %arg7[%swap3A_194, %swap3A_195] {strides = array<i32>} : memref<16x16xf32, #tpu.memory_space<vmem>>, vector<1x16xf32>,
    %swap3A_197 = vector.shape_cast %swap3A_196 : vector<1x16xf32> to vector<16xf32>
    %swap3A_198 = vector.shape_cast %scan3A_149#7 : vector<16xf32> to vector<1x16xf32>
    tpu.vector_store %arg7[%swap3A_194, %swap3A_195], %swap3A_198 {strides = array<i32>} : memref<16x16xf32, #tpu.memory_space<vmem>>, vector<1x16xf32>,
    %run_scoped3A = arith.constant 0 : i32
    "tpu.region"() ({
      %run_scoped3A_200 = tpu.sem_alloc : memref<!tpu.dma_semaphore, #tpu.memory_space<semaphore_mem>>
      %dma_start3A_201 = arith.constant 0 : i32
      %dma_start3A_202 = arith.constant 0 : i32
      %dma_start3A_203 = tpu.memref_slice %arg7[%dma_start3A_201, %dma_start3A_202] : memref<16x16xf32, #tpu.memory_space<vmem>> -> memref<8x16xf32, #tpu.memory_space<vmem>>
      %dma_start3A_204 = arith.constant 0 : i32
      %dma_start3A_205 = tpu.memref_slice %arg4[%run_scoped3A, %select_n3A, %mul3A_34, %dma_start3A_204] : memref<2x2x128x16xf32, #tpu.memory_space<hbm>> -> memref<1x1x8x16xf32, #tpu.memory_space<hbm>>
      %dma_start3A_206 = tpu.memref_squeeze %dma_start3A_205 : memref<1x1x8x16xf32, #tpu.memory_space<hbm>> -> memref<8x16xf32, #tpu.memory_space<hbm>>
      %dma_start3A_207 = arith.constant 0 : i32
      %dma_start3A_208 = tpu.memref_slice %arg4[%run_scoped3A, %select_n3A, %mul3A_34, %dma_start3A_207] : memref<2x2x128x16xf32, #tpu.memory_space<hbm>> -> memref<1x1x8x16xf32, #tpu.memory_space<hbm>>
      %dma_start3A_209 = tpu.memref_squeeze %dma_start3A_208 : memref<1x1x8x16xf32, #tpu.memory_space<hbm>> -> memref<8x16xf32, #tpu.memory_space<hbm>>
      %dma_start3A_210 = arith.constant 0 : i32
      %dma_start3A_211 = arith.constant 0 : i32
      %dma_start3A_212 = tpu.memref_slice %arg7[%dma_start3A_210, %dma_start3A_211] : memref<16x16xf32, #tpu.memory_space<vmem>> -> memref<8x16xf32, #tpu.memory_space<vmem>>
      tpu.enqueue_dma source(%dma_start3A_212 : memref<8x16xf32, #tpu.memory_space<vmem>>) target(%dma_start3A_209 : memref<8x16xf32, #tpu.memory_space<hbm>>) target_semaphore(%run_scoped3A_200 : memref<!tpu.dma_semaphore, #tpu.memory_space<semaphore_mem>>)
      %dma_wait3A_213 = arith.constant 0 : i32
      %dma_wait3A_214 = arith.constant 0 : i32
      %dma_wait3A_215 = tpu.memref_slice %arg7[%dma_wait3A_213, %dma_wait3A_214] : memref<16x16xf32, #tpu.memory_space<vmem>> -> memref<8x16xf32, #tpu.memory_space<vmem>>
      %dma_wait3A_216 = arith.constant 0 : i32
      %dma_wait3A_217 = tpu.memref_slice %arg4[%run_scoped3A, %select_n3A, %mul3A_34, %dma_wait3A_216] : memref<2x2x128x16xf32, #tpu.memory_space<hbm>> -> memref<1x1x8x16xf32, #tpu.memory_space<hbm>>
      %dma_wait3A_218 = tpu.memref_squeeze %dma_wait3A_217 : memref<1x1x8x16xf32, #tpu.memory_space<hbm>> -> memref<8x16xf32, #tpu.memory_space<hbm>>
      %dma_wait3A_219 = arith.constant 0 : i32
      %dma_wait3A_220 = tpu.memref_slice %arg4[%run_scoped3A, %select_n3A, %mul3A_34, %dma_wait3A_219] : memref<2x2x128x16xf32, #tpu.memory_space<hbm>> -> memref<1x1x8x16xf32, #tpu.memory_space<hbm>>
      %dma_wait3A_221 = tpu.memref_squeeze %dma_wait3A_220 : memref<1x1x8x16xf32, #tpu.memory_space<hbm>> -> memref<8x16xf32, #tpu.memory_space<hbm>>
      %dma_wait3A_222 = arith.constant 0 : i32
      %dma_wait3A_223 = arith.constant 0 : i32
      %dma_wait3A_224 = tpu.memref_slice %arg7[%dma_wait3A_222, %dma_wait3A_223] : memref<16x16xf32, #tpu.memory_space<vmem>> -> memref<8x16xf32, #tpu.memory_space<vmem>>
      tpu.wait_dma2 semaphore(%run_scoped3A_200 : memref<!tpu.dma_semaphore, #tpu.memory_space<semaphore_mem>>) src(%dma_wait3A_224 : memref<8x16xf32, #tpu.memory_space<vmem>>) dst(%dma_wait3A_221 : memref<8x16xf32, #tpu.memory_space<hbm>>)
      tpu.yield
    }) : () -> ()
    %run_scoped3A_199 = arith.constant 1 : i32
    "tpu.region"() ({
      %run_scoped3A_200 = tpu.sem_alloc : memref<!tpu.dma_semaphore, #tpu.memory_space<semaphore_mem>>
      %dma_start3A_201 = arith.constant 8 : i32
      %dma_start3A_202 = arith.constant 0 : i32
      %dma_start3A_203 = tpu.memref_slice %arg7[%dma_start3A_201, %dma_start3A_202] : memref<16x16xf32, #tpu.memory_space<vmem>> -> memref<8x16xf32, #tpu.memory_space<vmem>>
      %dma_start3A_204 = arith.constant 0 : i32
      %dma_start3A_205 = tpu.memref_slice %arg4[%run_scoped3A_199, %select_n3A, %mul3A_34, %dma_start3A_204] : memref<2x2x128x16xf32, #tpu.memory_space<hbm>> -> memref<1x1x8x16xf32, #tpu.memory_space<hbm>>
      %dma_start3A_206 = tpu.memref_squeeze %dma_start3A_205 : memref<1x1x8x16xf32, #tpu.memory_space<hbm>> -> memref<8x16xf32, #tpu.memory_space<hbm>>
      %dma_start3A_207 = arith.constant 0 : i32
      %dma_start3A_208 = tpu.memref_slice %arg4[%run_scoped3A_199, %select_n3A, %mul3A_34, %dma_start3A_207] : memref<2x2x128x16xf32, #tpu.memory_space<hbm>> -> memref<1x1x8x16xf32, #tpu.memory_space<hbm>>
      %dma_start3A_209 = tpu.memref_squeeze %dma_start3A_208 : memref<1x1x8x16xf32, #tpu.memory_space<hbm>> -> memref<8x16xf32, #tpu.memory_space<hbm>>
      %dma_start3A_210 = arith.constant 8 : i32
      %dma_start3A_211 = arith.constant 0 : i32
      %dma_start3A_212 = tpu.memref_slice %arg7[%dma_start3A_210, %dma_start3A_211] : memref<16x16xf32, #tpu.memory_space<vmem>> -> memref<8x16xf32, #tpu.memory_space<vmem>>
      tpu.enqueue_dma source(%dma_start3A_212 : memref<8x16xf32, #tpu.memory_space<vmem>>) target(%dma_start3A_209 : memref<8x16xf32, #tpu.memory_space<hbm>>) target_semaphore(%run_scoped3A_200 : memref<!tpu.dma_semaphore, #tpu.memory_space<semaphore_mem>>)
      %dma_wait3A_213 = arith.constant 8 : i32
      %dma_wait3A_214 = arith.constant 0 : i32
      %dma_wait3A_215 = tpu.memref_slice %arg7[%dma_wait3A_213, %dma_wait3A_214] : memref<16x16xf32, #tpu.memory_space<vmem>> -> memref<8x16xf32, #tpu.memory_space<vmem>>
      %dma_wait3A_216 = arith.constant 0 : i32
      %dma_wait3A_217 = tpu.memref_slice %arg4[%run_scoped3A_199, %select_n3A, %mul3A_34, %dma_wait3A_216] : memref<2x2x128x16xf32, #tpu.memory_space<hbm>> -> memref<1x1x8x16xf32, #tpu.memory_space<hbm>>
      %dma_wait3A_218 = tpu.memref_squeeze %dma_wait3A_217 : memref<1x1x8x16xf32, #tpu.memory_space<hbm>> -> memref<8x16xf32, #tpu.memory_space<hbm>>
      %dma_wait3A_219 = arith.constant 0 : i32
      %dma_wait3A_220 = tpu.memref_slice %arg4[%run_scoped3A_199, %select_n3A, %mul3A_34, %dma_wait3A_219] : memref<2x2x128x16xf32, #tpu.memory_space<hbm>> -> memref<1x1x8x16xf32, #tpu.memory_space<hbm>>
      %dma_wait3A_221 = tpu.memref_squeeze %dma_wait3A_220 : memref<1x1x8x16xf32, #tpu.memory_space<hbm>> -> memref<8x16xf32, #tpu.memory_space<hbm>>
      %dma_wait3A_222 = arith.constant 8 : i32
      %dma_wait3A_223 = arith.constant 0 : i32
      %dma_wait3A_224 = tpu.memref_slice %arg7[%dma_wait3A_222, %dma_wait3A_223] : memref<16x16xf32, #tpu.memory_space<vmem>> -> memref<8x16xf32, #tpu.memory_space<vmem>>
      tpu.wait_dma2 semaphore(%run_scoped3A_200 : memref<!tpu.dma_semaphore, #tpu.memory_space<semaphore_mem>>) src(%dma_wait3A_224 : memref<8x16xf32, #tpu.memory_space<vmem>>) dst(%dma_wait3A_221 : memref<8x16xf32, #tpu.memory_space<hbm>>)
      tpu.yield
    }) : () -> ()
    return
  }
}

module attributes {stable_mosaic.version = 14 : i64} {
  func.func @_tc_sums_body(%arg0: i32, %arg1: memref<1x1x64x128xf32, #tpu.memory_space<vmem>>, %arg2: memref<1x1x64x128xf32, #tpu.memory_space<vmem>>, %arg3: memref<1x128x64x128xf32, #tpu.memory_space<vmem>>, %arg4: memref<1x128x64x128xf32, #tpu.memory_space<vmem>>, %arg5: memref<128x128xf32, #tpu.memory_space<vmem>>, %arg6: memref<128x128xf32, #tpu.memory_space<vmem>>) attributes {dimension_semantics = [#tpu.dimension_semantics<arbitrary>], iteration_bounds = array<i64: 3>, scalar_prefetch = 0 : i64, scratch_operands = 0 : i64, tpu.core_type = #tpu.core_type<tc>, window_params = [{transform_indices = @transform_0, window_bounds = array<i64: 1, 1, 64, 128>}, {transform_indices = @transform_1, window_bounds = array<i64: 1, 1, 64, 128>}, {transform_indices = @transform_2, window_bounds = array<i64: 1, 128, 64, 128>}, {transform_indices = @transform_3, window_bounds = array<i64: 1, 128, 64, 128>}, {pipeline_mode = #tpu.pipeline_mode<synchronous>, transform_indices = @transform_4, window_bounds = array<i64: 128, 128>}, {pipeline_mode = #tpu.pipeline_mode<synchronous>, transform_indices = @transform_5, window_bounds = array<i64: 128, 128>}]} {
    %eq3A = arith.constant 0 : i32
    %eq3A_0 = arith.cmpi eq, %arg0, %eq3A : i32
    %convert_element_type3A = arith.extui %eq3A_0 : i1 to i32
    %cond3A = arith.constant 0 : i32
    %cond3A_1 = arith.cmpi ne, %convert_element_type3A, %cond3A : i32
    scf.if %cond3A_1 {
      %broadcast_in_dim3A_102 = arith.constant 0.000000e+00 : f32
      %broadcast_in_dim3A_103 = vector.broadcast %broadcast_in_dim3A_102 : f32 to vector<128x128xf32>
      %swap3A_104 = arith.constant 0 : index
      %swap3A_105 = arith.constant 0 : index
      %swap3A_106 = vector.load %arg5[%swap3A_104, %swap3A_105] : memref<128x128xf32, #tpu.memory_space<vmem>>, vector<128x128xf32>
      tpu.vector_store %arg5[%swap3A_104, %swap3A_105], %broadcast_in_dim3A_103 {strides = array<i32>} : memref<128x128xf32, #tpu.memory_space<vmem>>, vector<128x128xf32>,
      %broadcast_in_dim3A_107 = arith.constant 0.000000e+00 : f32
      %broadcast_in_dim3A_108 = vector.broadcast %broadcast_in_dim3A_107 : f32 to vector<128x128xf32>
      %swap3A_109 = arith.constant 0 : index
      %swap3A_110 = arith.constant 0 : index
      %swap3A_111 = vector.load %arg6[%swap3A_109, %swap3A_110] : memref<128x128xf32, #tpu.memory_space<vmem>>, vector<128x128xf32>
      tpu.vector_store %arg6[%swap3A_109, %swap3A_110], %broadcast_in_dim3A_108 {strides = array<i32>} : memref<128x128xf32, #tpu.memory_space<vmem>>, vector<128x128xf32>,
    } else {
    }
    %broadcast_in_dim3A = arith.constant 0.000000e+00 : f32
    %broadcast_in_dim3A_2 = vector.broadcast %broadcast_in_dim3A : f32 to vector<128x128xf32>
    %broadcast_in_dim3A_3 = arith.constant 0.000000e+00 : f32
    %broadcast_in_dim3A_4 = vector.broadcast %broadcast_in_dim3A_3 : f32 to vector<128x128xf32>
    %get3A = arith.constant 0 : index
    %get3A_5 = arith.constant 0 : index
    %get3A_6 = arith.constant 0 : index
    %get3A_7 = arith.constant 0 : index
    %get3A_8 = vector.load %arg1[%get3A, %get3A_5, %get3A_6, %get3A_7] : memref<1x1x64x128xf32, #tpu.memory_space<vmem>>, vector<1x1x64x128xf32>
    %get3A_9 = vector.shape_cast %get3A_8 : vector<1x1x64x128xf32> to vector<64x128xf32>
    %gt3A = arith.constant 1.000000e+03 : f32
    %gt3A_10 = vector.broadcast %gt3A : f32 to vector<64x128xf32>
    %gt3A_11 = arith.cmpf ogt, %get3A_9, %gt3A_10 : vector<64x128xf32>
    %lt3A = arith.constant 3.000000e+03 : f32
    %lt3A_12 = vector.broadcast %lt3A : f32 to vector<64x128xf32>
    %lt3A_13 = arith.cmpf olt, %get3A_9, %lt3A_12 : vector<64x128xf32>
    %and3A = arith.andi %gt3A_11, %lt3A_13 : vector<64x128xi1>
    %convert_element_type3A_14 = arith.extui %and3A : vector<64x128xi1> to vector<64x128xi32>
    %convert_element_type3A_15 = arith.sitofp %convert_element_type3A_14 : vector<64x128xi32> to vector<64x128xf32>
    %gt3A_16 = arith.constant 0.000000e+00 : f32
    %gt3A_17 = vector.broadcast %gt3A_16 : f32 to vector<64x128xf32>
    %gt3A_18 = arith.cmpf ogt, %get3A_9, %gt3A_17 : vector<64x128xf32>
    %lt3A_19 = arith.constant 1.000000e+03 : f32
    %lt3A_20 = vector.broadcast %lt3A_19 : f32 to vector<64x128xf32>
    %lt3A_21 = arith.cmpf olt, %get3A_9, %lt3A_20 : vector<64x128xf32>
    %and3A_22 = arith.andi %gt3A_18, %lt3A_21 : vector<64x128xi1>
    %gt3A_23 = arith.constant 3.000000e+03 : f32
    %gt3A_24 = vector.broadcast %gt3A_23 : f32 to vector<64x128xf32>
    %gt3A_25 = arith.cmpf ogt, %get3A_9, %gt3A_24 : vector<64x128xf32>
    %or3A = arith.ori %and3A_22, %gt3A_25 : vector<64x128xi1>
    %convert_element_type3A_26 = arith.extui %or3A : vector<64x128xi1> to vector<64x128xi32>
    %convert_element_type3A_27 = arith.sitofp %convert_element_type3A_26 : vector<64x128xi32> to vector<64x128xf32>
    %get3A_28 = arith.constant 0 : index
    %get3A_29 = arith.constant 0 : index
    %get3A_30 = arith.constant 0 : index
    %get3A_31 = arith.constant 0 : index
    %get3A_32 = vector.load %arg3[%get3A_28, %get3A_29, %get3A_30, %get3A_31] : memref<1x128x64x128xf32, #tpu.memory_space<vmem>>, vector<1x128x64x128xf32>
    %get3A_33 = vector.shape_cast %get3A_32 : vector<1x128x64x128xf32> to vector<128x64x128xf32>
    %broadcast_in_dim3A_34 = vector.shape_cast %convert_element_type3A_15 : vector<64x128xf32> to vector<1x64x128xf32>
    %mul3A = vector.broadcast %broadcast_in_dim3A_34 : vector<1x64x128xf32> to vector<128x64x128xf32>
    %mul3A_35 = arith.mulf %get3A_33, %mul3A : vector<128x64x128xf32>
    %reduce_sum3A = arith.constant dense<0.000000e+00> : vector<128x128xf32>
    %reduce_sum3A_36 = vector.multi_reduction <add>, %mul3A_35, %reduce_sum3A [1] : vector<128x64x128xf32> to vector<128x128xf32>
    %add3A = arith.addf %broadcast_in_dim3A_2, %reduce_sum3A_36 : vector<128x128xf32>
    %broadcast_in_dim3A_37 = vector.shape_cast %convert_element_type3A_27 : vector<64x128xf32> to vector<1x64x128xf32>
    %mul3A_38 = vector.broadcast %broadcast_in_dim3A_37 : vector<1x64x128xf32> to vector<128x64x128xf32>
    %mul3A_39 = arith.mulf %get3A_33, %mul3A_38 : vector<128x64x128xf32>
    %reduce_sum3A_40 = arith.constant dense<0.000000e+00> : vector<128x128xf32>
    %reduce_sum3A_41 = vector.multi_reduction <add>, %mul3A_39, %reduce_sum3A_40 [1] : vector<128x64x128xf32> to vector<128x128xf32>
    %add3A_42 = arith.addf %broadcast_in_dim3A_4, %reduce_sum3A_41 : vector<128x128xf32>
    %get3A_43 = arith.constant 0 : index
    %get3A_44 = arith.constant 0 : index
    %get3A_45 = arith.constant 0 : index
    %get3A_46 = arith.constant 0 : index
    %get3A_47 = vector.load %arg2[%get3A_43, %get3A_44, %get3A_45, %get3A_46] : memref<1x1x64x128xf32, #tpu.memory_space<vmem>>, vector<1x1x64x128xf32>
    %get3A_48 = vector.shape_cast %get3A_47 : vector<1x1x64x128xf32> to vector<64x128xf32>
    %gt3A_49 = arith.constant 1.000000e+03 : f32
    %gt3A_50 = vector.broadcast %gt3A_49 : f32 to vector<64x128xf32>
    %gt3A_51 = arith.cmpf ogt, %get3A_48, %gt3A_50 : vector<64x128xf32>
    %lt3A_52 = arith.constant 3.000000e+03 : f32
    %lt3A_53 = vector.broadcast %lt3A_52 : f32 to vector<64x128xf32>
    %lt3A_54 = arith.cmpf olt, %get3A_48, %lt3A_53 : vector<64x128xf32>
    %and3A_55 = arith.andi %gt3A_51, %lt3A_54 : vector<64x128xi1>
    %convert_element_type3A_56 = arith.extui %and3A_55 : vector<64x128xi1> to vector<64x128xi32>
    %convert_element_type3A_57 = arith.sitofp %convert_element_type3A_56 : vector<64x128xi32> to vector<64x128xf32>
    %gt3A_58 = arith.constant 0.000000e+00 : f32
    %gt3A_59 = vector.broadcast %gt3A_58 : f32 to vector<64x128xf32>
    %gt3A_60 = arith.cmpf ogt, %get3A_48, %gt3A_59 : vector<64x128xf32>
    %lt3A_61 = arith.constant 1.000000e+03 : f32
    %lt3A_62 = vector.broadcast %lt3A_61 : f32 to vector<64x128xf32>
    %lt3A_63 = arith.cmpf olt, %get3A_48, %lt3A_62 : vector<64x128xf32>
    %and3A_64 = arith.andi %gt3A_60, %lt3A_63 : vector<64x128xi1>
    %gt3A_65 = arith.constant 3.000000e+03 : f32
    %gt3A_66 = vector.broadcast %gt3A_65 : f32 to vector<64x128xf32>
    %gt3A_67 = arith.cmpf ogt, %get3A_48, %gt3A_66 : vector<64x128xf32>
    %or3A_68 = arith.ori %and3A_64, %gt3A_67 : vector<64x128xi1>
    %convert_element_type3A_69 = arith.extui %or3A_68 : vector<64x128xi1> to vector<64x128xi32>
    %convert_element_type3A_70 = arith.sitofp %convert_element_type3A_69 : vector<64x128xi32> to vector<64x128xf32>
    %get3A_71 = arith.constant 0 : index
    %get3A_72 = arith.constant 0 : index
    %get3A_73 = arith.constant 0 : index
    %get3A_74 = arith.constant 0 : index
    %get3A_75 = vector.load %arg4[%get3A_71, %get3A_72, %get3A_73, %get3A_74] : memref<1x128x64x128xf32, #tpu.memory_space<vmem>>, vector<1x128x64x128xf32>
    %get3A_76 = vector.shape_cast %get3A_75 : vector<1x128x64x128xf32> to vector<128x64x128xf32>
    %broadcast_in_dim3A_77 = vector.shape_cast %convert_element_type3A_57 : vector<64x128xf32> to vector<1x64x128xf32>
    %mul3A_78 = vector.broadcast %broadcast_in_dim3A_77 : vector<1x64x128xf32> to vector<128x64x128xf32>
    %mul3A_79 = arith.mulf %get3A_76, %mul3A_78 : vector<128x64x128xf32>
    %reduce_sum3A_80 = arith.constant dense<0.000000e+00> : vector<128x128xf32>
    %reduce_sum3A_81 = vector.multi_reduction <add>, %mul3A_79, %reduce_sum3A_80 [1] : vector<128x64x128xf32> to vector<128x128xf32>
    %add3A_82 = arith.addf %add3A, %reduce_sum3A_81 : vector<128x128xf32>
    %broadcast_in_dim3A_83 = vector.shape_cast %convert_element_type3A_70 : vector<64x128xf32> to vector<1x64x128xf32>
    %mul3A_84 = vector.broadcast %broadcast_in_dim3A_83 : vector<1x64x128xf32> to vector<128x64x128xf32>
    %mul3A_85 = arith.mulf %get3A_76, %mul3A_84 : vector<128x64x128xf32>
    %reduce_sum3A_86 = arith.constant dense<0.000000e+00> : vector<128x128xf32>
    %reduce_sum3A_87 = vector.multi_reduction <add>, %mul3A_85, %reduce_sum3A_86 [1] : vector<128x64x128xf32> to vector<128x128xf32>
    %add3A_88 = arith.addf %add3A_42, %reduce_sum3A_87 : vector<128x128xf32>
    %get3A_89 = arith.constant 0 : index
    %get3A_90 = arith.constant 0 : index
    %get3A_91 = vector.load %arg5[%get3A_89, %get3A_90] : memref<128x128xf32, #tpu.memory_space<vmem>>, vector<128x128xf32>
    %add3A_92 = arith.addf %get3A_91, %add3A_82 : vector<128x128xf32>
    %swap3A = arith.constant 0 : index
    %swap3A_93 = arith.constant 0 : index
    %swap3A_94 = vector.load %arg5[%swap3A, %swap3A_93] : memref<128x128xf32, #tpu.memory_space<vmem>>, vector<128x128xf32>
    tpu.vector_store %arg5[%swap3A, %swap3A_93], %add3A_92 {strides = array<i32>} : memref<128x128xf32, #tpu.memory_space<vmem>>, vector<128x128xf32>,
    %get3A_95 = arith.constant 0 : index
    %get3A_96 = arith.constant 0 : index
    %get3A_97 = vector.load %arg6[%get3A_95, %get3A_96] : memref<128x128xf32, #tpu.memory_space<vmem>>, vector<128x128xf32>
    %add3A_98 = arith.addf %get3A_97, %add3A_88 : vector<128x128xf32>
    %swap3A_99 = arith.constant 0 : index
    %swap3A_100 = arith.constant 0 : index
    %swap3A_101 = vector.load %arg6[%swap3A_99, %swap3A_100] : memref<128x128xf32, #tpu.memory_space<vmem>>, vector<128x128xf32>
    tpu.vector_store %arg6[%swap3A_99, %swap3A_100], %add3A_98 {strides = array<i32>} : memref<128x128xf32, #tpu.memory_space<vmem>>, vector<128x128xf32>,
    return
  }
  func.func @transform_0(%arg0: i32) -> (i32, i32, i32, i32) {
    %add3A = arith.constant 0 : i32
    %add3A_0 = arith.addi %arg0, %add3A : i32
    %c0_i32 = arith.constant 0 : i32
    %c0_i32_1 = arith.constant 0 : i32
    %c0_i32_2 = arith.constant 0 : i32
    %c0_i32_3 = arith.constant 0 : i32
    return %add3A_0, %c0_i32, %c0_i32_1, %c0_i32_2 : i32, i32, i32, i32
  }
  func.func @transform_1(%arg0: i32) -> (i32, i32, i32, i32) {
    %add3A = arith.constant 3 : i32
    %add3A_0 = arith.addi %arg0, %add3A : i32
    %c0_i32 = arith.constant 0 : i32
    %c0_i32_1 = arith.constant 0 : i32
    %c0_i32_2 = arith.constant 0 : i32
    %c0_i32_3 = arith.constant 0 : i32
    return %add3A_0, %c0_i32, %c0_i32_1, %c0_i32_2 : i32, i32, i32, i32
  }
  func.func @transform_2(%arg0: i32) -> (i32, i32, i32, i32) {
    %add3A = arith.constant 0 : i32
    %add3A_0 = arith.addi %arg0, %add3A : i32
    %c0_i32 = arith.constant 0 : i32
    %c0_i32_1 = arith.constant 0 : i32
    %c0_i32_2 = arith.constant 0 : i32
    %c0_i32_3 = arith.constant 0 : i32
    return %add3A_0, %c0_i32, %c0_i32_1, %c0_i32_2 : i32, i32, i32, i32
  }
  func.func @transform_3(%arg0: i32) -> (i32, i32, i32, i32) {
    %add3A = arith.constant 3 : i32
    %add3A_0 = arith.addi %arg0, %add3A : i32
    %c0_i32 = arith.constant 0 : i32
    %c0_i32_1 = arith.constant 0 : i32
    %c0_i32_2 = arith.constant 0 : i32
    %c0_i32_3 = arith.constant 0 : i32
    return %add3A_0, %c0_i32, %c0_i32_1, %c0_i32_2 : i32, i32, i32, i32
  }
  func.func @transform_4(%arg0: i32) -> (i32, i32) {
    %c0_i32 = arith.constant 0 : i32
    %c0_i32_0 = arith.constant 0 : i32
    %c0_i32_1 = arith.constant 0 : i32
    return %c0_i32, %c0_i32_0 : i32, i32
  }
  func.func @transform_5(%arg0: i32) -> (i32, i32) {
    %c0_i32 = arith.constant 0 : i32
    %c0_i32_0 = arith.constant 0 : i32
    %c0_i32_1 = arith.constant 0 : i32
    return %c0_i32, %c0_i32_0 : i32, i32
  }
}

module attributes {stable_mosaic.version = 14 : i64} {
  func.func @_corr_body(%arg0: i32, %arg1: memref<8x1x64x128xf32, #tpu.memory_space<vmem>>, %arg2: memref<128x128xf32, #tpu.memory_space<vmem>>, %arg3: memref<128x128xf32, #tpu.memory_space<vmem>>, %arg4: memref<2x2x128x16xf32, #tpu.memory_space<vmem>>, %arg5: memref<1x1xf32, #tpu.memory_space<vmem>>) attributes {dimension_semantics = [#tpu.dimension_semantics<arbitrary>], iteration_bounds = array<i64: 1>, scalar_prefetch = 0 : i64, scratch_operands = 0 : i64, tpu.core_type = #tpu.core_type<tc>, window_params = [{transform_indices = @transform_0, window_bounds = array<i64: 8, 1, 64, 128>}, {pipeline_mode = #tpu.pipeline_mode<synchronous>, transform_indices = @transform_1, window_bounds = array<i64: 128, 128>}, {pipeline_mode = #tpu.pipeline_mode<synchronous>, transform_indices = @transform_2, window_bounds = array<i64: 128, 128>}, {pipeline_mode = #tpu.pipeline_mode<synchronous>, transform_indices = @transform_3, window_bounds = array<i64: 2, 2, 128, 16>}, {pipeline_mode = #tpu.pipeline_mode<synchronous>, transform_indices = @transform_4, window_bounds = array<i64: 1, 1>}]} {
    %get3A = arith.constant 0 : index
    %get3A_0 = arith.constant 0 : index
    %get3A_1 = arith.constant 0 : index
    %get3A_2 = arith.constant 0 : index
    %get3A_3 = vector.load %arg1[%get3A, %get3A_0, %get3A_1, %get3A_2] : memref<8x1x64x128xf32, #tpu.memory_space<vmem>>, vector<8x1x64x128xf32>
    %get3A_4 = vector.shape_cast %get3A_3 : vector<8x1x64x128xf32> to vector<8x64x128xf32>
    %gt3A = arith.constant 1.000000e+03 : f32
    %gt3A_5 = vector.broadcast %gt3A : f32 to vector<8x64x128xf32>
    %gt3A_6 = arith.cmpf ogt, %get3A_4, %gt3A_5 : vector<8x64x128xf32>
    %lt3A = arith.constant 3.000000e+03 : f32
    %lt3A_7 = vector.broadcast %lt3A : f32 to vector<8x64x128xf32>
    %lt3A_8 = arith.cmpf olt, %get3A_4, %lt3A_7 : vector<8x64x128xf32>
    %and3A = arith.andi %gt3A_6, %lt3A_8 : vector<8x64x128xi1>
    %convert_element_type3A = arith.extui %and3A : vector<8x64x128xi1> to vector<8x64x128xi32>
    %convert_element_type3A_9 = arith.sitofp %convert_element_type3A : vector<8x64x128xi32> to vector<8x64x128xf32>
    %gt3A_10 = arith.constant 0.000000e+00 : f32
    %gt3A_11 = vector.broadcast %gt3A_10 : f32 to vector<8x64x128xf32>
    %gt3A_12 = arith.cmpf ogt, %get3A_4, %gt3A_11 : vector<8x64x128xf32>
    %lt3A_13 = arith.constant 1.000000e+03 : f32
    %lt3A_14 = vector.broadcast %lt3A_13 : f32 to vector<8x64x128xf32>
    %lt3A_15 = arith.cmpf olt, %get3A_4, %lt3A_14 : vector<8x64x128xf32>
    %and3A_16 = arith.andi %gt3A_12, %lt3A_15 : vector<8x64x128xi1>
    %gt3A_17 = arith.constant 3.000000e+03 : f32
    %gt3A_18 = vector.broadcast %gt3A_17 : f32 to vector<8x64x128xf32>
    %gt3A_19 = arith.cmpf ogt, %get3A_4, %gt3A_18 : vector<8x64x128xf32>
    %or3A = arith.ori %and3A_16, %gt3A_19 : vector<8x64x128xi1>
    %convert_element_type3A_20 = arith.extui %or3A : vector<8x64x128xi1> to vector<8x64x128xi32>
    %convert_element_type3A_21 = arith.sitofp %convert_element_type3A_20 : vector<8x64x128xi32> to vector<8x64x128xf32>
    %reduce_sum3A = vector.shape_cast %convert_element_type3A_9 : vector<8x64x128xf32> to vector<1x8x64x128xf32>
    %reduce_sum3A_22 = arith.constant dense<0.000000e+00> : vector<1xf32>
    %reduce_sum3A_23 = vector.multi_reduction <add>, %reduce_sum3A, %reduce_sum3A_22 [1, 2, 3] : vector<1x8x64x128xf32> to vector<1xf32>
    %reduce_sum3A_24 = vector.shape_cast %reduce_sum3A_23 : vector<1xf32> to vector<1x1x1x1xf32>
    %reduce_sum3A_25 = vector.extract %reduce_sum3A_24[0, 0, 0, 0] : f32 from vector<1x1x1x1xf32>
    %reduce_sum3A_26 = vector.shape_cast %convert_element_type3A_21 : vector<8x64x128xf32> to vector<1x8x64x128xf32>
    %reduce_sum3A_27 = arith.constant dense<0.000000e+00> : vector<1xf32>
    %reduce_sum3A_28 = vector.multi_reduction <add>, %reduce_sum3A_26, %reduce_sum3A_27 [1, 2, 3] : vector<1x8x64x128xf32> to vector<1xf32>
    %reduce_sum3A_29 = vector.shape_cast %reduce_sum3A_28 : vector<1xf32> to vector<1x1x1x1xf32>
    %reduce_sum3A_30 = vector.extract %reduce_sum3A_29[0, 0, 0, 0] : f32 from vector<1x1x1x1xf32>
    %get3A_31 = arith.constant 0 : index
    %get3A_32 = arith.constant 0 : index
    %get3A_33 = arith.constant 0 : index
    %get3A_34 = arith.constant 0 : index
    %get3A_35 = vector.load %arg4[%get3A_31, %get3A_32, %get3A_33, %get3A_34] : memref<2x2x128x16xf32, #tpu.memory_space<vmem>>, vector<2x2x128x16xf32>
    %get3A_36 = arith.constant 0 : index
    %get3A_37 = arith.constant 0 : index
    %get3A_38 = vector.load %arg2[%get3A_36, %get3A_37] : memref<128x128xf32, #tpu.memory_space<vmem>>, vector<128x128xf32>
    %reduce_sum3A_39 = arith.constant dense<0.000000e+00> : vector<128xf32>
    %reduce_sum3A_40 = vector.multi_reduction <add>, %get3A_38, %reduce_sum3A_39 [1] : vector<128x128xf32> to vector<128xf32>
    %slice3A = vector.extract_strided_slice %get3A_35 {offsets = [0, 0, 0, 0], sizes = [1, 2, 128, 16], strides = [1, 1, 1, 1]} : vector<2x2x128x16xf32> to vector<1x2x128x16xf32>
    %squeeze3A = vector.shape_cast %slice3A : vector<1x2x128x16xf32> to vector<2x128x16xf32>
    %reduce_sum3A_41 = arith.constant dense<0.000000e+00> : vector<128xf32>
    %reduce_sum3A_42 = vector.multi_reduction <add>, %squeeze3A, %reduce_sum3A_41 [0, 2] : vector<2x128x16xf32> to vector<128xf32>
    %add3A = arith.addf %reduce_sum3A_40, %reduce_sum3A_42 : vector<128xf32>
    %get3A_43 = arith.constant 0 : index
    %get3A_44 = arith.constant 0 : index
    %get3A_45 = vector.load %arg3[%get3A_43, %get3A_44] : memref<128x128xf32, #tpu.memory_space<vmem>>, vector<128x128xf32>
    %reduce_sum3A_46 = arith.constant dense<0.000000e+00> : vector<128xf32>
    %reduce_sum3A_47 = vector.multi_reduction <add>, %get3A_45, %reduce_sum3A_46 [1] : vector<128x128xf32> to vector<128xf32>
    %slice3A_48 = vector.extract_strided_slice %get3A_35 {offsets = [1, 0, 0, 0], sizes = [1, 2, 128, 16], strides = [1, 1, 1, 1]} : vector<2x2x128x16xf32> to vector<1x2x128x16xf32>
    %squeeze3A_49 = vector.shape_cast %slice3A_48 : vector<1x2x128x16xf32> to vector<2x128x16xf32>
    %reduce_sum3A_50 = arith.constant dense<0.000000e+00> : vector<128xf32>
    %reduce_sum3A_51 = vector.multi_reduction <add>, %squeeze3A_49, %reduce_sum3A_50 [0, 2] : vector<2x128x16xf32> to vector<128xf32>
    %add3A_52 = arith.addf %reduce_sum3A_47, %reduce_sum3A_51 : vector<128xf32>
    %div3A = vector.broadcast %reduce_sum3A_25 : f32 to vector<128xf32>
    %div3A_53 = arith.divf %add3A, %div3A : vector<128xf32>
    %div3A_54 = vector.broadcast %reduce_sum3A_30 : f32 to vector<128xf32>
    %div3A_55 = arith.divf %add3A_52, %div3A_54 : vector<128xf32>
    %reduce_sum3A_56 = vector.shape_cast %div3A_53 : vector<128xf32> to vector<1x128xf32>
    %reduce_sum3A_57 = arith.constant dense<0.000000e+00> : vector<1xf32>
    %reduce_sum3A_58 = vector.multi_reduction <add>, %reduce_sum3A_56, %reduce_sum3A_57 [1] : vector<1x128xf32> to vector<1xf32>
    %reduce_sum3A_59 = vector.shape_cast %reduce_sum3A_58 : vector<1xf32> to vector<1x1xf32>
    %reduce_sum3A_60 = vector.extract %reduce_sum3A_59[0, 0] : f32 from vector<1x1xf32>
    %div3A_61 = arith.constant 1.280000e+02 : f32
    %div3A_62 = arith.divf %reduce_sum3A_60, %div3A_61 : f32
    %sub3A = vector.broadcast %div3A_62 : f32 to vector<128xf32>
    %sub3A_63 = arith.subf %div3A_53, %sub3A : vector<128xf32>
    %reduce_sum3A_64 = vector.shape_cast %div3A_55 : vector<128xf32> to vector<1x128xf32>
    %reduce_sum3A_65 = arith.constant dense<0.000000e+00> : vector<1xf32>
    %reduce_sum3A_66 = vector.multi_reduction <add>, %reduce_sum3A_64, %reduce_sum3A_65 [1] : vector<1x128xf32> to vector<1xf32>
    %reduce_sum3A_67 = vector.shape_cast %reduce_sum3A_66 : vector<1xf32> to vector<1x1xf32>
    %reduce_sum3A_68 = vector.extract %reduce_sum3A_67[0, 0] : f32 from vector<1x1xf32>
    %div3A_69 = arith.constant 1.280000e+02 : f32
    %div3A_70 = arith.divf %reduce_sum3A_68, %div3A_69 : f32
    %sub3A_71 = vector.broadcast %div3A_70 : f32 to vector<128xf32>
    %sub3A_72 = arith.subf %div3A_55, %sub3A_71 : vector<128xf32>
    %mul3A = arith.mulf %sub3A_63, %sub3A_72 : vector<128xf32>
    %reduce_sum3A_73 = vector.shape_cast %mul3A : vector<128xf32> to vector<1x128xf32>
    %reduce_sum3A_74 = arith.constant dense<0.000000e+00> : vector<1xf32>
    %reduce_sum3A_75 = vector.multi_reduction <add>, %reduce_sum3A_73, %reduce_sum3A_74 [1] : vector<1x128xf32> to vector<1xf32>
    %reduce_sum3A_76 = vector.shape_cast %reduce_sum3A_75 : vector<1xf32> to vector<1x1xf32>
    %reduce_sum3A_77 = vector.extract %reduce_sum3A_76[0, 0] : f32 from vector<1x1xf32>
    %div3A_78 = arith.constant 1.280000e+02 : f32
    %div3A_79 = arith.divf %reduce_sum3A_77, %div3A_78 : f32
    %mul3A_80 = arith.mulf %sub3A_63, %sub3A_63 : vector<128xf32>
    %reduce_sum3A_81 = vector.shape_cast %mul3A_80 : vector<128xf32> to vector<1x128xf32>
    %reduce_sum3A_82 = arith.constant dense<0.000000e+00> : vector<1xf32>
    %reduce_sum3A_83 = vector.multi_reduction <add>, %reduce_sum3A_81, %reduce_sum3A_82 [1] : vector<1x128xf32> to vector<1xf32>
    %reduce_sum3A_84 = vector.shape_cast %reduce_sum3A_83 : vector<1xf32> to vector<1x1xf32>
    %reduce_sum3A_85 = vector.extract %reduce_sum3A_84[0, 0] : f32 from vector<1x1xf32>
    %div3A_86 = arith.constant 1.280000e+02 : f32
    %div3A_87 = arith.divf %reduce_sum3A_85, %div3A_86 : f32
    %sqrt3A = math.sqrt %div3A_87 : f32
    %mul3A_88 = arith.mulf %sub3A_72, %sub3A_72 : vector<128xf32>
    %reduce_sum3A_89 = vector.shape_cast %mul3A_88 : vector<128xf32> to vector<1x128xf32>
    %reduce_sum3A_90 = arith.constant dense<0.000000e+00> : vector<1xf32>
    %reduce_sum3A_91 = vector.multi_reduction <add>, %reduce_sum3A_89, %reduce_sum3A_90 [1] : vector<1x128xf32> to vector<1xf32>
    %reduce_sum3A_92 = vector.shape_cast %reduce_sum3A_91 : vector<1xf32> to vector<1x1xf32>
    %reduce_sum3A_93 = vector.extract %reduce_sum3A_92[0, 0] : f32 from vector<1x1xf32>
    %div3A_94 = arith.constant 1.280000e+02 : f32
    %div3A_95 = arith.divf %reduce_sum3A_93, %div3A_94 : f32
    %sqrt3A_96 = math.sqrt %div3A_95 : f32
    %mul3A_97 = arith.mulf %sqrt3A, %sqrt3A_96 : f32
    %div3A_98 = arith.divf %div3A_79, %mul3A_97 : f32
    %jit3A = arith.constant -1.000000e+00 : f32
    %jit3A_99 = arith.constant 1.000000e+00 : f32
    %max3A = arith.maximumf %jit3A, %div3A_98 : f32
    %min3A = arith.minimumf %jit3A_99, %max3A : f32
    %abs3A = math.absf %min3A : f32
    %reshape3A = vector.broadcast %abs3A : f32 to vector<1x1xf32>
    %swap3A = arith.constant 0 : index
    %swap3A_100 = arith.constant 0 : index
    %swap3A_101 = vector.load %arg5[%swap3A, %swap3A_100] : memref<1x1xf32, #tpu.memory_space<vmem>>, vector<1x1xf32>
    tpu.vector_store %arg5[%swap3A, %swap3A_100], %reshape3A {strides = array<i32>} : memref<1x1xf32, #tpu.memory_space<vmem>>, vector<1x1xf32>,
    return
  }
  func.func @transform_0(%arg0: i32) -> (i32, i32, i32, i32) {
    %c0_i32 = arith.constant 0 : i32
    %c0_i32_0 = arith.constant 0 : i32
    %c0_i32_1 = arith.constant 0 : i32
    %c0_i32_2 = arith.constant 0 : i32
    %c0_i32_3 = arith.constant 0 : i32
    return %c0_i32, %c0_i32_0, %c0_i32_1, %c0_i32_2 : i32, i32, i32, i32
  }
  func.func @transform_1(%arg0: i32) -> (i32, i32) {
    %c0_i32 = arith.constant 0 : i32
    %c0_i32_0 = arith.constant 0 : i32
    %c0_i32_1 = arith.constant 0 : i32
    return %c0_i32, %c0_i32_0 : i32, i32
  }
  func.func @transform_2(%arg0: i32) -> (i32, i32) {
    %c0_i32 = arith.constant 0 : i32
    %c0_i32_0 = arith.constant 0 : i32
    %c0_i32_1 = arith.constant 0 : i32
    return %c0_i32, %c0_i32_0 : i32, i32
  }
  func.func @transform_3(%arg0: i32) -> (i32, i32, i32, i32) {
    %c0_i32 = arith.constant 0 : i32
    %c0_i32_0 = arith.constant 0 : i32
    %c0_i32_1 = arith.constant 0 : i32
    %c0_i32_2 = arith.constant 0 : i32
    %c0_i32_3 = arith.constant 0 : i32
    return %c0_i32, %c0_i32_0, %c0_i32_1, %c0_i32_2 : i32, i32, i32, i32
  }
  func.func @transform_4(%arg0: i32) -> (i32, i32) {
    %c0_i32 = arith.constant 0 : i32
    %c0_i32_0 = arith.constant 0 : i32
    %c0_i32_1 = arith.constant 0 : i32
    return %c0_i32, %c0_i32_0 : i32, i32
  }
}

</mosaic_0001>

<sc_bundles>
// kernel: kernel.5.cloned.1.call-start
scs
__scs_entry_jumppad:
0x0: {  	(pc) =	sbr.rel $0x88, $3  }
0x1: {  	(tag) =	ssettag $0x0;
	lr =	simm.s32 $0x1  }
0x2: {  	[smem:$0x3F9F] =	sst lr;
	_ =	strace $0xD0000000  }
0x3: {  	_ = 	snop  }
0x4: {  	_ = 	snop  }
0x5: {  	_ = 	snop  }
0x6: {  	_ = 	snop  }
0x7: {  	_ = 	snop  }
__scs_overlays_trampoline_lowered:
0x8: {  	[smem:$0x3FAE] =	sst s0  }
0x9: {  	[smem:$0x3FAF] =	sst s1  }
0xa: {  	[smem:$0x3FB0] =	sst s2  }
0xb: {  	[smem:$0x3FB1] =	sst s3  }
0xc: {  	[smem:$0x3FB2] =	sst s4  }
0xd: {  	[smem:$0x3FB3] =	sst s5  }
0xe: {  	[smem:$0x3FB4] =	sst s6  }
0xf: {  	[smem:$0x3FB5] =	sst s7  }
0x10: {  	[smem:$0x3FB6] =	sst s8  }
0x11: {  	[smem:$0x3FB7] =	sst s9;
	s0 =	simm.s32 @!p0 $0x0  }
0x12: {  	s1 =	sld [smem:$0x3F9D];
	s0 =	simm.s32 @p0 $0x1  }
0x13: {  	[smem:$0x3FB8] =	sst s0;
	s0 =	simm.s32 @!p1 $0x0  }
0x14: {  	s2 =	sld [smem:$0x3F9C];
	s0 =	simm.s32 @p1 $0x1  }
0x15: {  	[smem:$0x3FB9] =	sst s0;
	s0 =	simm.s32 @!p2 $0x0  }
0x16: {  	s3 =	sld [smem:$0x3FDB];
	s0 =	simm.s32 @p2 $0x1  }
0x17: {  	s4 =	simm.s32 $0x1BF5;
	[smem:$0x3FBB] =	sst s0  }
0x18: {  	s0 =	sld [smem:$0x3F9E];
	_ =	swait.ge [sflag:s4], $0x0  }
0x19: {  	s7 =	sld [smem:$0x3F9F]  }
0x1a: {  	s8 =	sadd.s32 $0xFFFFE003, lr  }
0x1b: {  	s9 =	sadd.s32 $0xFFFFFEF7, lr;
	s5 =	simm.s32 $0xFFFFFFFF;
	p2 =	slt.u32 s8, $0xFFFFF086  }
0x1c: {  	p1 =	slt.u32 s9, $0xF7A;
	s5 =	simm.s32 @!p2 $0x0  }
0x1d: {  	s5 =	simm.s32 @p1 $0x1;
	p0 =	seq.s32 s7, s2  }
0x1e: {  	s7 =	smul.u32 @!p0 $0xF7A, s2;
	p2 =	seq.s32 @!p0 s5, $0x0  }
0x1f: {  	s9 =	smul.u32 $0xF7A, s1;
	s8 =	simm.s32 @!p0 $0x1BF5;
	p2 =	por !p2, p0  }
0x20: {  	[sflag:s8] =	ssyncset.s32 @!p0 $0xFFFFF086;
	s6 =	sadd.s32 @!p0 s3, s7;
	s7 =	simm.s32 @!p0 $0x108  }
0x21: {  	s3 =	sadd.s32 s3, s9;
	s6 =	sadd.s32 @!p0 $0x88, s6;
	s7 =	simm.s32 @p2 $0x1082  }
0x22: {  	[simem:s7], [sflag:s8] =	dma.local @!p0 [hbm:s6], $0xF7A  }
0x23: {  	s9 =	sor.u32 $0xD0000000, s2;
	s6 =	simm.s32 $0x108;
	_ =	swait.ge @!p0 [sflag:s8], $0x0  }
0x24: {  	s3 =	sadd.s32 $0x88, s3;
	s6 =	simm.s32 @!p1 $0x1082;
	[sflag:s4] =	ssyncset.s32 $0xFFFFF086  }
0x25: {  	[simem:s6], [sflag:s4] =	dma.local [hbm:s3], $0xF7A  }
0x26: {  	[smem:$0x3F9F] =	sst s1;
	(tag) =	ssettag s2;
	_ =	strace s9  }
0x27: {  	s1 =	sld [smem:$0x3FAF]  }
0x28: {  	s2 =	sld [smem:$0x3FB0]  }
0x29: {  	s4 =	sld [smem:$0x3FB2]  }
0x2a: {  	p0 =	seq.s32 s5, $0x0;
	s5 =	sld [smem:$0x3FB3]  }
0x2b: {  	s6 =	sld [smem:$0x3FB4]  }
0x2c: {  	s7 =	sld [smem:$0x3FB5]  }
0x2d: {  	s3 =	simm.s32 $0x108;
	s8 =	sld [smem:$0x3FB6]  }
0x2e: {  	s3 =	simm.s32 @!p0 $0x1082;
	s9 =	sld [smem:$0x3FB7]  }
0x2f: {  	lr =	sadd.s32 s0, s3;
	s0 =	sld [smem:$0x3FAE]  }
0x30: {  	s3 =	sld [smem:$0x3FB1]  }
0x31: {  	[smem:$0x3FBA] =	sst s10  }
0x32: {  	s10 =	sld [smem:$0x3FB8];
	_ =	sdelay $0x3  }
0x33: {  	p0 =	seq.s32 s10, $0x1;
	s10 =	sld [smem:$0x3FBA];
	_ =	sdelay $0x3  }
0x34: {  	[smem:$0x3FBA] =	sst s10  }
0x35: {  	s10 =	sld [smem:$0x3FB9];
	_ =	sdelay $0x3  }
0x36: {  	p1 =	seq.s32 s10, $0x1;
	s10 =	sld [smem:$0x3FBA];
	_ =	sdelay $0x3  }
0x37: {  	[smem:$0x3FBA] =	sst s10  }
0x38: {  	s10 =	sld [smem:$0x3FBB]  }
0x39: {  	_ = 	snop;
	(pc) =	sbr.ind lr, $3  }
0x3a: {  	_ = 	snop  }
0x3b: {  	_ = 	snop  }
0x3c: {  	p2 =	seq.s32 s10, $0x1;
	s10 =	sld [smem:$0x3FBA]  }
0x3d: {  	_ =	shalt  }
0x3e: {  	_ =	shalt  }
0x3f: {  	_ =	shalt  }
0x40: {  	_ =	shalt  }
0x41: {  	_ =	shalt  }
0x42: {  	_ =	shalt  }
0x43: {  	_ =	shalt  }
0x44: {  	_ =	shalt  }
0x45: {  	_ =	shalt  }
0x46: {  	_ =	shalt  }
0x47: {  	_ =	shalt  }
0x48: {  	_ =	shalt  }
0x49: {  	_ =	shalt  }
0x4a: {  	_ =	shalt  }
0x4b: {  	_ =	shalt  }
0x4c: {  	_ =	shalt  }
0x4d: {  	_ =	shalt  }
0x4e: {  	_ =	shalt  }
0x4f: {  	_ =	shalt  }
0x50: {  	_ =	shalt  }
0x51: {  	_ =	shalt  }
0x52: {  	_ =	shalt  }
0x53: {  	_ =	shalt  }
0x54: {  	_ =	shalt  }
0x55: {  	_ =	shalt  }
0x56: {  	_ =	shalt  }
0x57: {  	_ =	shalt  }
0x58: {  	_ =	shalt  }
0x59: {  	_ =	shalt  }
0x5a: {  	_ =	shalt  }
0x5b: {  	_ =	shalt  }
0x5c: {  	_ =	shalt  }
0x5d: {  	_ =	shalt  }
0x5e: {  	_ =	shalt  }
0x5f: {  	_ =	shalt  }
0x60: {  	_ =	shalt  }
0x61: {  	_ =	shalt  }
0x62: {  	_ =	shalt  }
0x63: {  	_ =	shalt  }
0x64: {  	_ =	shalt  }
0x65: {  	_ =	shalt  }
0x66: {  	_ =	shalt  }
0x67: {  	_ =	shalt  }
0x68: {  	_ =	shalt  }
0x69: {  	_ =	shalt  }
0x6a: {  	_ =	shalt  }
0x6b: {  	_ =	shalt  }
0x6c: {  	_ =	shalt  }
0x6d: {  	_ =	shalt  }
0x6e: {  	_ =	shalt  }
0x6f: {  	_ =	shalt  }
0x70: {  	_ =	shalt  }
0x71: {  	_ =	shalt  }
0x72: {  	_ =	shalt  }
0x73: {  	_ =	shalt  }
0x74: {  	_ =	shalt  }
0x75: {  	_ =	shalt  }
0x76: {  	_ =	shalt  }
0x77: {  	_ =	shalt  }
0x78: {  	_ =	shalt  }
0x79: {  	_ =	shalt  }
0x7a: {  	_ =	shalt  }
0x7b: {  	_ =	shalt  }
0x7c: {  	_ =	shalt  }
0x7d: {  	_ =	shalt  }
0x7e: {  	_ =	shalt  }
0x7f: {  	_ =	shalt  }
0x80: {  	_ =	shalt  }
0x81: {  	_ =	shalt  }
0x82: {  	_ =	shalt  }
0x83: {  	_ =	shalt  }
0x84: {  	_ =	shalt  }
0x85: {  	_ =	shalt  }
0x86: {  	_ =	shalt  }
0x87: {  	_ =	shalt  }
.Lfunc_end0:
.L_simem_size_0:
called_computation_lowered:
.L_overlay_start_0:
0x88: {  	s2 =	sld [smem:$0x3FD9]  }
0x89: {  	s3 =	sld [smem:$0x3FFE];
	_ =	sdelay $0x1  }
0x8a: {  	s1 =	srdreg.scid  }
0x8b: {  	s0 =	sand.u32 $0x1, s1  }
0x8c: {  	s17 =	sshll.u32 s0, $0xA;
	s2 =	sadd.s32 s3, s2  }
0x8d: {  	s2 =	sadd.s32 s2, s17  }
0x8e: {  	[smem:$0x3FC6] =	sst s2  }
0x8f: {  	_ = 	snop  }
0x90: {  	s2 =	sld [smem:$0x3FC9]  }
0x91: {  	s18 =	sld [smem:$0x3FC8];
	(tm) =	ssettm $0x1  }
0x92: {  	s4 =	sld [smem:$0x3FFB];
	_ =	sdelay $0x3  }
0x93: {  	_ =	strace s4  }
0x94: {  	s4 =	sld [smem:$0x3FFC];
	_ =	sdelay $0x3  }
0x95: {  	_ =	strace s4  }
0x96: {  	s4 =	sld [smem:$0x3FFD];
	_ =	sdelay $0x3  }
0x97: {  	_ =	strace s4  }
0x98: {  	_ =	strace $0x8FFFFFFF  }
0x99: {  	s19 =	sld [smem:$0x3FDB];
	_ =	sdelay $0x1  }
0x9a: {  	s5 =	simm.s32 $_scs_section_size  }
0x9b: {  	s6 =	simm.s32 $_size__tile_overlayer_lowered;
	s7 =	simm.s32 $_tile_overlayer_lowered  }
0x9c: {  	s22 =	simm.s32 $0x1BFF;
	s21 =	sshll.u32 s7, $0x1;
	s4 =	sadd.s32 s5, s19  }
0x9d: {  	s8 =	simm.s32 $0x0;
	s20 =	sshll.u32 s6, $0x1;
	s6 =	sadd.s32 s21, s4  }
0x9e: {  	[timem:s8], [sflag:s22] =	dma.local [hbm:s6], s20  }
0x9f: {  	_ =	swait.ge [sflag:s22], s20  }
0xa0: {  	s5 =	ssub.s32 $0x0, s20;
	[sflag:s22] =	ssyncset.done $0x0  }
0xa1: {  	[sflag:s22] =	ssyncadd.s32 s5;
	_ =	sdelay $0x1  }
0xa2: {  	s23 =	simm.s32 $0x1B8B  }
0xa3: {  	_ =	swait.ge [sflag:s23], $0x1  }
0xa4: {  	[sflag:s23] =	ssyncset.done $0x0  }
0xa5: {  	s25 =	simm.s32 $0x1B8E;
	s24 =	sld [smem:$0x3FFE];
	[sflag:s23] =	ssyncadd.s32 $0xFFFFFFFF  }
0xa6: {  	s26 =	simm.s32 $execute0_lowered;
	[smem:$0x3FD2] =	sst s25  }
0xa7: {  	s6 =	sshll.u32 s26, $0x1;
	_ =	strace $0x80000046;
	[dreg:$0x1] =	wrdreg $0xFFFFFFFF  }
0xa8: {  	s28 =	simm.s32 $_size_execute0_lowered;
	s4 =	sadd.s32 s4, s6;
	[dreg:$0x0] =	wrdreg $0x0  }
0xa9: {  	s6 =	sshll.u32 s28, $0x1;
	[dreg:$0x2] =	wrdreg s4  }
0xaa: {  	[dreg:$0x3] =	wrdreg s6  }
0xab: {  	[dreg:$0x4] =	wrdreg $0xC0  }
0xac: {  	_ =	task [dreg:s8], $0x5FFFF  }
0xad: {  	[dreg:$0x1] =	wrdreg $0xFFFFFFFF  }
0xae: {  	[dreg:$0x0] =	wrdreg $0x60  }
0xaf: {  	[dreg:$0x2] =	wrdreg s2  }
0xb0: {  	[dreg:$0x3] =	wrdreg s18  }
0xb1: {  	[dreg:$0x4] =	wrdreg s24  }
0xb2: {  	[dreg:$0x5] =	wrdreg $0x9  }
0xb3: {  	_ =	task.clear_ibuf [dreg:s8], $0x6FFFF;
	_ =	strace $0x90000046  }
0xb4: {  	s29 =	simm.s32 $0x9;
	_ =	strace $0x80000048  }
0xb5: {  	_ =	swait.ge [sflag:s29], $0x1  }
0xb6: {  	[sflag:s29] =	ssyncadd.s32 $0xFFFFFFFF  }
0xb7: {  	_ =	strace $0x90000048  }
0xb8: {  	_ =	sfence  }
0xb9: {  	s30 =	sld [smem:$0x0];
	_ =	sdelay $0x2  }
0xba: {  	s31 =	sshll.u32 s1, $0xD;
	s1 =	sshrl.u32 s1, $0x2  }
0xbb: {  	s3 =	sand.u32 $0x4000, s31;
	s1 =	sadd.s32 s1, s30  }
0xbc: {  	s0 =	sor.u32 s3, s0;
	s1 =	sshll.u32 s1, $0x11  }
0xbd: {  	s0 =	sor.u32 s1, s0  }
0xbe: {  	s0 =	sadd.s32 $0x8F2B, s0  }
0xbf: {  	[sflag:s0] =	ssyncadd.remote.s32 $0x1  }
0xc0: {  	_ =	sfence.sel $0xFFFF  }
0xc1: {  	[dreg:$0x0] =	wrdreg $0xFFFFFFFF;
	(pc) =	sbr.abs _section_cstart, $3  }
0xc2: {  	[dreg:$0x1] =	wrdreg $0xFFFFFFFF  }
0xc3: {  	_ =	task.clear_ibuf [dreg:s8], $0x2FFFF;
	_ =	strace $0x9FFFFFFF  }
0xc4: {  	(tm) =	ssettm $0x7FFFFFFF  }
0xc5: {  	_ =	shalt  }
tec
execute0_lowered:
.L_overlay_start_1:
0x0: {  	(tag) =	ssettag $0x1  }
0x1: {  	s4 =	rddreg [dreg:$0x0]  }
0x2: {  	s3 =	rddreg [dreg:$0x1]  }
0x3: {  	s5 =	rddreg [dreg:$0x2]  }
0x4: {  	s0 =	rddreg [dreg:$0x3];
	s2 =	simm.s32 $0x0;
	s1 =	stileid.u32  }
0x5: {  	s6 =	srdreg.scid;
	s11 =	simm.s32 $0x2;
	s12 =	simm.s32 $0x12000  }
0x6: {  	s13 =	simm.s32 $0x12400;
	s14 =	simm.s32 $0x0;
	[smem:$0x7FF] =	sst s2  }
0x7: {  	s7 =	sshll.u32 s1, $0x1;
	s6 =	sand.u32 $0x1, s6;
	s8 =	sshrl.u32 s1, $0x3  }
0x8: {  	s7 =	sand.u32 $0xE, s7;
	s9 =	sshll.u32 s8, $0xB;
	s8 =	sshll.u32 s8, $0x14  }
0x9: {  	_ =	strace $0x80000047;
	s28 =	ssub.s32 $0x2, s6;
	s7 =	sor.u32 s6, s7  }
0xa: {  	s8 =	sor.u32 $0x600000, s8;
	s30 =	sshrl.u32 s28, $0x1;
	s10 =	sshll.u32 s7, $0x7  }
0xb: {  	s7 =	sshll.u32 s7, $0x10;
	s31 =	ssub.s32 s28, s30;
	s9 =	sor.u32 s9, s10  }
0xc: {  	s7 =	sor.u32 s8, s7;
	s8 =	sshrl.u32 s8, $0x3;
	s10 =	simm.s32 $0x1  }
0xd: {  	s9 =	sadd.s32 s9, s5;
	s29 =	sshrl.u32 s7, $0x3;
	s4 =	sadd.s32 s4, s8  }
0xe: {  	s8 =	smax.u32 s31, $0x1;
	s3 =	sadd.s32 s3, s29;
	s6 =	sadd.s32 $0x800, s9  }
0xf: {  	v0 =	vimm.f32 $0.0e+00;
	s7 =	sadd.s32 $0x1800, s9;
	s9 =	simm.s32 $0x3;
	s5 =	sadd.s32 $0x1000, s3  }
.LBB2_1:
0x10: {  	[tilespmem:s2], [sflag:$0x3] =	stream.linear.gather [hbm4b:s4+s2], $0x2000, $0x38;
	[tilespmem:$0x12800] =	vst v63  }
0x11: {  	_ =	swait.ge [sflag:s9], $0x2000  }
0x12: {  	s15 =	simm.s32 $0x2000;
	s16 =	simm.s32 $0x10;
	[sflag:s9] =	ssyncset.done $0x0  }
0x13: {  	s18 =	sadd.s32 $0x0, s3;
	s17 =	simm.s32 $0x2100;
	[sflag:s9] =	ssyncadd.s32 $0xFFFFE000  }
.LBB2_2:
0x14: {  	[tilespmem:s15], [sflag:$0x1] =	stream.linear.gather [hbm4b:s18+s2], $0x80, $0x38;
	[tilespmem:$0x12800] =	vst v63  }
0x15: {  	s18 =	smov.u32 s16;
	s15 =	smov.u32 s17;
	p0 =	sne.s32 s16, $0xFF0  }
.Ltmp0:
0x16: {  	s16 =	sadd.s32 $0x10, s16;
	(pc) =	sbr.rel @p0 .LBB2_2-.Ltmp0, $2  }
0x17: {  	_ =	sdelay $0x2  }
0x18: {  	s17 =	sadd.s32 $0x100, s17;
	s18 =	sadd.s32 s18, s3  }
0x19: {  	[tilespmem:s15], [sflag:$0x1] =	stream.linear.gather [hbm4b:s18+s2], $0x80, $0x38;
	[tilespmem:$0x12800] =	vst v63  }
0x1a: {  	s15 =	simm.s32 $0x2080  }
0x1b: {  	s16 =	simm.s32 $0x10;
	s18 =	sadd.s32 $0x0, s5;
	s17 =	simm.s32 $0x2180  }
.LBB2_4:
0x1c: {  	[tilespmem:s15], [sflag:$0x2] =	stream.linear.gather [hbm4b:s18+s2], $0x80, $0x38;
	[tilespmem:$0x12800] =	vst v63  }
0x1d: {  	s18 =	smov.u32 s16;
	s15 =	smov.u32 s17;
	p0 =	sne.s32 s16, $0xFF0  }
.Ltmp1:
0x1e: {  	s16 =	sadd.s32 $0x10, s16;
	(pc) =	sbr.rel @p0 .LBB2_4-.Ltmp1, $2  }
0x1f: {  	_ =	sdelay $0x2  }
0x20: {  	s17 =	sadd.s32 $0x100, s17;
	s18 =	sadd.s32 s18, s5  }
0x21: {  	[tilespmem:s15], [sflag:$0x2] =	stream.linear.gather [hbm4b:s18+s2], $0x80, $0x38;
	[tilespmem:$0x12800] =	vst v63  }
0x22: {  	_ =	swait.ge [sflag:s10], $0x8000  }
0x23: {  	[sflag:s10] =	ssyncset.done $0x0  }
0x24: {  	s30 =	simm.s32 $0x0;
	[sflag:s10] =	ssyncadd.s32 $0xFFFF8000  }
0x25: {  	v1 =	vld [tilespmem:s30+$0x0]  }
0x26: {  	s31 =	simm.s32 $0x10;
	s16 =	sand.u32 $0x70, s30;
	s15 =	sand.u32 $0x3F00, s30  }
0x27: {  	s15 =	sor.u32 s16, s15;
	v9 =	vld [tilespmem:s31+$0x0]  }
0x28: {  	v2 =	vld [tilespmem:s15+$0xE000]  }
0x29: {  	v3 =	vld [tilespmem:s15+$0x2000]  }
0x2a: {  	v6 =	vimm.f32 $0.0e+00;
	v4 =	vld [tilespmem:s15+$0xA000];
	vm0 =	vgt.f32 v1, $1.000000000e+03  }
0x2b: {  	vm1 =	vgt.f32 v1, $0.0e+00;
	vm2 =	vlt.f32 v1, $1.000000000e+03;
	vm3 =	vlt.f32 v1, $3.000000000e+03  }
0x2c: {  	vm10 =	vgt.f32 v1, $3.000000000e+03;
	v1 =	vld [tilespmem:s15+$0x6000];
	vm11 =	vgt.f32 v9, $1.000000000e+03;
	vm0 =	vmand vm0, vm3  }
0x2d: {  	vm12 =	vgt.f32 v9, $0.0e+00;
	vm1 =	vmand vm1, vm2;
	v5 =	vsel vm0, $0x3F800000, v0  }
0x2e: {  	s15 =	simm.s32 $0x20;
	vm13 =	vlt.f32 v9, $1.000000000e+03;
	vm1 =	vmor vm10, vm1;
	v7 =	vmul.f32 v2, v5  }
0x2f: {  	s16 =	sand.u32 $0x70, s31;
	s17 =	sand.u32 $0x3F00, s15;
	v8 =	vsel vm1, $0x3F800000, v0;
	v10 =	vmul.f32 v5, v3;
	v18 =	vmul.f32 v5, v4  }
0x30: {  	vm14 =	vlt.f32 v9, $3.000000000e+03;
	s17 =	sor.u32 s16, s17;
	v2 =	vmul.f32 v8, v2;
	v3 =	vmul.f32 v8, v3  }
0x31: {  	vm0 =	vmand vm11, vm14;
	v4 =	vmul.f32 v8, v4;
	v12 =	vmul.f32 v8, v1;
	v8 =	vld [tilespmem:s17+$0xE000]  }
0x32: {  	vm15 =	vgt.f32 v9, $3.000000000e+03;
	v16 =	vld [tilespmem:s17+$0x2000];
	vm1 =	vmand vm12, vm13;
	v17 =	vsel vm0, $0x3F800000, v0  }
0x33: {  	v15 =	vld [tilespmem:s17+$0x6000];
	v11 =	vmul.f32 v5, v1;
	v5 =	vadd.f32 v10, v6;
	v1 =	vadd.f32 v2, v6  }
0x34: {  	vm1 =	vmor vm15, vm1;
	v10 =	vld [tilespmem:s17+$0xA000];
	v3 =	vadd.f32 v3, v6;
	v4 =	vadd.f32 v4, v6  }
0x35: {  	s16 =	simm.s32 $0x20;
	v13 =	vsel vm1, $0x3F800000, v0;
	v2 =	vadd.f32 v12, v6;
	v9 =	vadd.f32 v11, v6  }
0x36: {  	s18 =	simm.s32 $0x20;
	v14 =	vld [tilespmem:s16+$0x0];
	s17 =	simm.s32 $0x30;
	v12 =	vmul.f32 v8, v17;
	v11 =	vmul.f32 v13, v8;
	v8 =	vadd.f32 v18, v6  }
.LBB2_6:
0x37: {  	p0 =	sne.s32 s17, $0x1FF0;
	v18 =	vmul.f32 v17, v16;
	v16 =	vmul.f32 v13, v16;
	s15 =	sadd.s32 $0x20, s15;
	v6 =	vadd.f32 v7, v6  }
0x38: {  	s19 =	sand.u32 $0x70, s16;
	s16 =	smov.u32 s17;
	s20 =	sand.u32 $0x3F00, s15;
	v19 =	vmul.f32 v17, v15;
	v15 =	vmul.f32 v13, v15;
	v1 =	vadd.f32 v11, v1;
	v7 =	vmovc v12  }
0x39: {  	s19 =	sor.u32 s19, s20;
	v3 =	vadd.f32 v16, v3;
	v20 =	vmul.f32 v17, v10;
	v11 =	vmul.f32 v13, v10  }
0x3a: {  	v5 =	vadd.f32 v18, v5;
	v21 =	vld [tilespmem:s19+$0xE000];
	v2 =	vadd.f32 v15, v2  }
.Ltmp2:
0x3b: {  	vm0 =	vgt.f32 v14, $1.000000000e+03;
	vm1 =	vgt.f32 v14, $0.0e+00;
	vm2 =	vlt.f32 v14, $1.000000000e+03;
	v16 =	vld [tilespmem:s19+$0x2000];
	(pc) =	sbr.rel @p0 .LBB2_6-.Ltmp2, $4  }
0x3c: {  	vm3 =	vlt.f32 v14, $3.000000000e+03;
	vm1 =	vmand vm1, vm2;
	vm2 =	vgt.f32 v14, $3.000000000e+03;
	v15 =	vld [tilespmem:s19+$0x6000]  }
0x3d: {  	v4 =	vadd.f32 v11, v4;
	vm0 =	vmand vm0, vm3;
	vm1 =	vmor vm2, vm1;
	v10 =	vld [tilespmem:s19+$0xA000]  }
0x3e: {  	s18 =	sadd.s32 $0x10, s18;
	v9 =	vadd.f32 v19, v9;
	v17 =	vsel vm0, $0x3F800000, v0;
	v13 =	vsel vm1, $0x3F800000, v0  }
0x3f: {  	s17 =	sadd.s32 $0x10, s17;
	v8 =	vadd.f32 v20, v8;
	v14 =	vld [tilespmem:s18+$0x0];
	v12 =	vmul.f32 v21, v17;
	v11 =	vmul.f32 v13, v21  }
0x40: {  	s15 =	sadd.s32 $0x20, s15  }
0x41: {  	s16 =	sand.u32 $0x70, s16;
	s15 =	sand.u32 $0x3F00, s15  }
0x42: {  	s15 =	sor.u32 s16, s15  }
0x43: {  	v18 =	vmul.f32 v17, v16;
	v6 =	vadd.f32 v7, v6;
	v16 =	vmul.f32 v13, v16;
	v7 =	vld [tilespmem:s15+$0x2000]  }
0x44: {  	v20 =	vmul.f32 v17, v15;
	v15 =	vmul.f32 v13, v15;
	vm0 =	vgt.f32 v14, $1.000000000e+03  }
0x45: {  	v19 =	vld [tilespmem:s15+$0x6000];
	vm1 =	vgt.f32 v14, $0.0e+00;
	vm2 =	vlt.f32 v14, $1.000000000e+03;
	vm3 =	vlt.f32 v14, $3.000000000e+03  }
0x46: {  	vm5 =	vgt.f32 v14, $3.000000000e+03;
	vm1 =	vmand vm1, vm2;
	vm0 =	vmand vm0, vm3  }
0x47: {  	v14 =	vmul.f32 v17, v10;
	v17 =	vld [tilespmem:s15+$0xA000];
	vm1 =	vmor vm5, vm1;
	v21 =	vsel vm0, $0x3F800000, v0  }
0x48: {  	v5 =	vadd.f32 v18, v5;
	v18 =	vsel vm1, $0x3F800000, v0;
	v22 =	vmul.f32 v21, v7  }
0x49: {  	v3 =	vadd.f32 v16, v3;
	v10 =	vmul.f32 v13, v10;
	v13 =	vld [tilespmem:s15+$0xE000];
	v7 =	vmul.f32 v18, v7  }
0x4a: {  	v9 =	vadd.f32 v20, v9;
	v16 =	vmul.f32 v21, v19;
	v5 =	vadd.f32 v22, v5  }
0x4b: {  	v2 =	vadd.f32 v15, v2;
	v3 =	vadd.f32 v7, v3;
	v7 =	vmul.f32 v18, v19  }
0x4c: {  	v8 =	vadd.f32 v14, v8;
	v14 =	vmul.f32 v21, v17;
	v9 =	vadd.f32 v16, v9;
	[tilespmem:$0x12000] =	vst v5  }
0x4d: {  	v4 =	vadd.f32 v10, v4;
	v5 =	vmul.f32 v18, v17;
	v2 =	vadd.f32 v7, v2;
	[tilespmem:$0x12400] =	vst v3  }
0x4e: {  	v6 =	vadd.f32 v12, v6;
	v3 =	vmul.f32 v13, v21;
	v7 =	vadd.f32 v14, v8;
	[tilespmem:$0x12080] =	vst v9  }
0x4f: {  	v1 =	vadd.f32 v11, v1;
	v8 =	vmul.f32 v18, v13;
	v4 =	vadd.f32 v5, v4;
	[tilespmem:$0x12480] =	vst v2  }
0x50: {  	v2 =	vadd.f32 v3, v6;
	[tilespmem:$0x12100] =	vst v7  }
0x51: {  	v1 =	vadd.f32 v8, v1;
	[tilespmem:$0x12500] =	vst v4  }
0x52: {  	[tilespmem:$0x12180] =	vst v2  }
0x53: {  	[tilespmem:$0x12580] =	vst v1  }
0x54: {  	_ =	swait.ge [sflag:s11], $0x8000  }
0x55: {  	[sflag:s11] =	ssyncset.done $0x0  }
0x56: {  	s29 =	simm.s32 $0x0;
	[sflag:s11] =	ssyncadd.s32 $0xFFFF8000  }
0x57: {  	v1 =	vld [tilespmem:s29+$0x0]  }
0x58: {  	s31 =	simm.s32 $0x10;
	s30 =	sand.u32 $0x70, s29;
	s15 =	sand.u32 $0x3F00, s29  }
0x59: {  	s15 =	sor.u32 s30, s15;
	v9 =	vld [tilespmem:s31+$0x0]  }
0x5a: {  	v2 =	vld [tilespmem:s15+$0xE080]  }
0x5b: {  	v3 =	vld [tilespmem:s15+$0x2080]  }
0x5c: {  	v6 =	vimm.f32 $0.0e+00;
	v4 =	vld [tilespmem:s15+$0xA080];
	vm6 =	vgt.f32 v1, $1.000000000e+03  }
0x5d: {  	vm7 =	vgt.f32 v1, $0.0e+00;
	vm8 =	vlt.f32 v1, $1.000000000e+03;
	vm9 =	vlt.f32 v1, $3.000000000e+03  }
0x5e: {  	vm10 =	vgt.f32 v1, $3.000000000e+03;
	v1 =	vld [tilespmem:s15+$0x6080];
	vm11 =	vgt.f32 v9, $1.000000000e+03;
	vm0 =	vmand vm6, vm9  }
0x5f: {  	vm12 =	vgt.f32 v9, $0.0e+00;
	vm1 =	vmand vm7, vm8;
	v5 =	vsel vm0, $0x3F800000, v0  }
0x60: {  	s15 =	simm.s32 $0x20;
	vm13 =	vlt.f32 v9, $1.000000000e+03;
	vm1 =	vmor vm10, vm1;
	v7 =	vmul.f32 v2, v5  }
0x61: {  	s16 =	sand.u32 $0x70, s31;
	s17 =	sand.u32 $0x3F00, s15;
	v8 =	vsel vm1, $0x3F800000, v0;
	v10 =	vmul.f32 v5, v3;
	v18 =	vmul.f32 v5, v4  }
0x62: {  	vm14 =	vlt.f32 v9, $3.000000000e+03;
	s17 =	sor.u32 s16, s17;
	v2 =	vmul.f32 v8, v2;
	v3 =	vmul.f32 v8, v3  }
0x63: {  	vm0 =	vmand vm11, vm14;
	v4 =	vmul.f32 v8, v4;
	v12 =	vmul.f32 v8, v1;
	v8 =	vld [tilespmem:s17+$0xE080]  }
0x64: {  	vm15 =	vgt.f32 v9, $3.000000000e+03;
	v16 =	vld [tilespmem:s17+$0x2080];
	vm1 =	vmand vm12, vm13;
	v17 =	vsel vm0, $0x3F800000, v0  }
0x65: {  	v15 =	vld [tilespmem:s17+$0x6080];
	v11 =	vmul.f32 v5, v1;
	v5 =	vadd.f32 v10, v6;
	v1 =	vadd.f32 v2, v6  }
0x66: {  	vm1 =	vmor vm15, vm1;
	v10 =	vld [tilespmem:s17+$0xA080];
	v3 =	vadd.f32 v3, v6;
	v4 =	vadd.f32 v4, v6  }
0x67: {  	s16 =	simm.s32 $0x20;
	v13 =	vsel vm1, $0x3F800000, v0;
	v2 =	vadd.f32 v12, v6;
	v9 =	vadd.f32 v11, v6  }
0x68: {  	s18 =	simm.s32 $0x20;
	v14 =	vld [tilespmem:s16+$0x0];
	s17 =	simm.s32 $0x30;
	v12 =	vmul.f32 v8, v17;
	v11 =	vmul.f32 v13, v8;
	v8 =	vadd.f32 v18, v6  }
.LBB2_8:
0x69: {  	p0 =	sne.s32 s17, $0x1FF0;
	v18 =	vmul.f32 v17, v16;
	v16 =	vmul.f32 v13, v16;
	s15 =	sadd.s32 $0x20, s15;
	v6 =	vadd.f32 v7, v6  }
0x6a: {  	s19 =	sand.u32 $0x70, s16;
	s16 =	smov.u32 s17;
	s20 =	sand.u32 $0x3F00, s15;
	v19 =	vmul.f32 v17, v15;
	v15 =	vmul.f32 v13, v15;
	v1 =	vadd.f32 v11, v1;
	v7 =	vmovc v12  }
0x6b: {  	s19 =	sor.u32 s19, s20;
	v3 =	vadd.f32 v16, v3;
	v20 =	vmul.f32 v17, v10;
	v11 =	vmul.f32 v13, v10  }
0x6c: {  	v5 =	vadd.f32 v18, v5;
	v21 =	vld [tilespmem:s19+$0xE080];
	v2 =	vadd.f32 v15, v2  }
.Ltmp3:
0x6d: {  	vm0 =	vgt.f32 v14, $1.000000000e+03;
	vm1 =	vgt.f32 v14, $0.0e+00;
	vm2 =	vlt.f32 v14, $1.000000000e+03;
	v16 =	vld [tilespmem:s19+$0x2080];
	(pc) =	sbr.rel @p0 .LBB2_8-.Ltmp3, $4  }
0x6e: {  	vm3 =	vlt.f32 v14, $3.000000000e+03;
	vm1 =	vmand vm1, vm2;
	vm2 =	vgt.f32 v14, $3.000000000e+03;
	v15 =	vld [tilespmem:s19+$0x6080]  }
0x6f: {  	v4 =	vadd.f32 v11, v4;
	vm0 =	vmand vm0, vm3;
	vm1 =	vmor vm2, vm1;
	v10 =	vld [tilespmem:s19+$0xA080]  }
0x70: {  	s18 =	sadd.s32 $0x10, s18;
	v9 =	vadd.f32 v19, v9;
	v17 =	vsel vm0, $0x3F800000, v0;
	v13 =	vsel vm1, $0x3F800000, v0  }
0x71: {  	s17 =	sadd.s32 $0x10, s17;
	v8 =	vadd.f32 v20, v8;
	v14 =	vld [tilespmem:s18+$0x0];
	v12 =	vmul.f32 v21, v17;
	v11 =	vmul.f32 v13, v21  }
0x72: {  	s15 =	sadd.s32 $0x20, s15  }
0x73: {  	s16 =	sand.u32 $0x70, s16;
	s15 =	sand.u32 $0x3F00, s15  }
0x74: {  	s15 =	sor.u32 s16, s15  }
0x75: {  	v18 =	vmul.f32 v17, v16;
	v6 =	vadd.f32 v7, v6;
	v51 =	vmul.f32 v13, v16;
	v50 =	vld [tilespmem:s15+$0x2080]  }
0x76: {  	v20 =	vmul.f32 v17, v15;
	v52 =	vmul.f32 v13, v15;
	vm0 =	vgt.f32 v14, $1.000000000e+03  }
0x77: {  	v19 =	vld [tilespmem:s15+$0x6080];
	vm1 =	vgt.f32 v14, $0.0e+00;
	vm2 =	vlt.f32 v14, $1.000000000e+03;
	vm3 =	vlt.f32 v14, $3.000000000e+03  }
0x78: {  	vm15 =	vgt.f32 v14, $3.000000000e+03;
	vm1 =	vmand vm1, vm2;
	vm0 =	vmand vm0, vm3  }
0x79: {  	v53 =	vmul.f32 v17, v10;
	v54 =	vld [tilespmem:s15+$0xA080];
	vm1 =	vmor vm15, vm1;
	v21 =	vsel vm0, $0x3F800000, v0  }
0x7a: {  	v5 =	vadd.f32 v18, v5;
	v55 =	vsel vm1, $0x3F800000, v0;
	v22 =	vmul.f32 v21, v50  }
0x7b: {  	v3 =	vadd.f32 v51, v3;
	v56 =	vmul.f32 v13, v10;
	v57 =	vld [tilespmem:s15+$0xE080];
	v7 =	vmul.f32 v55, v50  }
0x7c: {  	v9 =	vadd.f32 v20, v9;
	v58 =	vmul.f32 v21, v19;
	v5 =	vadd.f32 v22, v5  }
0x7d: {  	v2 =	vadd.f32 v52, v2;
	v59 =	vmul.f32 v55, v19;
	v3 =	vadd.f32 v7, v3  }
0x7e: {  	v8 =	vadd.f32 v53, v8;
	v60 =	vmul.f32 v21, v54;
	v9 =	vadd.f32 v58, v9;
	[tilespmem:$0x12200] =	vst v5  }
0x7f: {  	v4 =	vadd.f32 v56, v4;
	v61 =	vmul.f32 v55, v54;
	v2 =	vadd.f32 v59, v2;
	[tilespmem:$0x12600] =	vst v3  }
0x80: {  	v1 =	vadd.f32 v11, v1;
	v63 =	vmul.f32 v55, v57;
	v62 =	vadd.f32 v60, v8;
	[tilespmem:$0x12280] =	vst v9  }
0x81: {  	v6 =	vadd.f32 v12, v6;
	v4 =	vadd.f32 v61, v4;
	v3 =	vmul.f32 v57, v21;
	[tilespmem:$0x12680] =	vst v2  }
0x82: {  	v1 =	vadd.f32 v63, v1;
	[tilespmem:$0x12300] =	vst v62  }
0x83: {  	[tilespmem:$0x12700] =	vst v4;
	v2 =	vadd.f32 v3, v6  }
0x84: {  	[tilespmem:$0x12780] =	vst v1  }
0x85: {  	[tilespmem:$0x12380] =	vst v2  }
0x86: {  	[hbm4b:s6+s2] =	stream.linear.scatter [tilespmem:s12], [sflag:$0x3], $0x400, $0x38;
	[tilespmem:$0x12800] =	vst v63  }
0x87: {  	s14 =	sadd.s32 $0x1, s14;
	_ =	swait.ge [sflag:s9], $0x400  }
0x88: {  	p0 =	sne.s32 s14, s8;
	[sflag:s9] =	ssyncset.done $0x0  }
.Ltmp4:
0x89: {  	[sflag:s9] =	ssyncadd.s32 $0xFFFFFC00;
	(pc) =	sbr.rel @p0 .LBB2_1-.Ltmp4, $4  }
0x8a: {  	[hbm4b:s7+s2] =	stream.linear.scatter [tilespmem:s13], [sflag:$0x3], $0x400, $0x38;
	[tilespmem:$0x12800] =	vst v63  }
0x8b: {  	_ =	swait.ge [sflag:s9], $0x400  }
0x8c: {  	[sflag:s9] =	ssyncset.done $0x0  }
0x8d: {  	[sflag:s9] =	ssyncadd.s32 $0xFFFFFC00  }
0x8e: {  	_ =	sfence.sel $0x180000  }
0x8f: {  	[bflag:$0x0] =	sbarrier.arrive $0xFFFF  }
0x90: {  	p0 =	sne.s32 s1, $0x0;
	_ =	strace $0x90000047  }
0x91: {  	s0 =	sadd.s32 @!p0 $0x100000, s0;
	[bflag:$0x2] =	sbarrier.arrive $0xFFFF  }
0x92: {  	[sflag:s0] =	ssyncadd.tile.s32 @!p0 $0x1;
	_ =	shalt  }
.Lfunc_end2:
_tile_overlayer_lowered:
.L_overlay_start_2:
0x93: {  	(tag) =	ssettag $0x2  }
0x94: {  	s0 =	rddreg [dreg:$0x0];
	s2 =	stileid.u32  }
0x95: {  	s1 =	rddreg [dreg:$0x1];
	p0 =	sne.s32 s2, $0x0  }
0x96: {  	s3 =	rddreg [dreg:$0x2];
	[bflag:$0x3] =	sbarrier.arrive $0xFFFF;
	s2 =	simm.s32 @!p0 $0x1C03  }
0x97: {  	[timem:s3], [sflag:s2] =	dma.local @!p0 [hbm:s0], s1  }
0x98: {  	s0 =	simm.s32 @!p0 $0x3  }
0x99: {  	_ =	swait.ge @!p0 [sflag:s0], s1  }
0x9a: {  	s1 =	ssub.s32 @!p0 $0x0, s1;
	[sflag:s0] =	ssyncset.done @!p0 $0x0  }
0x9b: {  	[sflag:s0] =	ssyncadd.s32 @!p0 s1  }
0x9c: {  	[bflag:$0x3] =	sbarrier.arrive $0xFFFF  }
0x9d: {  	_ =	shalt  }

</sc_bundles>
